<compile_context>
chip_gen: v7x
topology: tpu7x:2x2x1
jax: 0.10.2.dev20260603
libtpu: 0.0.44.dev20260713+nightly
codegen_flags: <defaults>
</compile_context>

<pallas_src>
import functools

import jax
import jax.numpy as jnp
from jax import lax
from jax.experimental import pallas as pl
from jax.experimental.pallas import tpu as pltpu
from jax.experimental.pallas import tpu_sc as plsc

R = 2048
H = 2048
B = 16
VOCAB = 1000
NSUB = 16
ROWS = R // NSUB
W = ROWS // 32
HW = W // 2
CB = 32
NB = H // CB
STEPS = NB + NSUB - 1


def _column_step(vp, vn, eq, hinp, hinn):
    nw = len(vp)
    x = [eq[w] | vn[w] for w in range(nw)]
    x[0] = x[0] | hinn
    d0 = [None] * nw
    carry = None
    for w in range(nw):
        a = vp[w]
        bb = x[w] & a
        t = a + bb
        s = t if carry is None else t + carry
        if w < nw - 1:
            ov = t.astype(jnp.uint32) < a.astype(jnp.uint32)
            if carry is not None:
                ov = ov | (s.astype(jnp.uint32) < t.astype(jnp.uint32))
            carry = ov.astype(jnp.int32)
        d0[w] = (s ^ a) | x[w]
    hn = [vp[w] & d0[w] for w in range(nw)]
    hp = [vn[w] | ~(vp[w] | d0[w]) for w in range(nw)]
    houtp = lax.shift_right_logical(hp[nw - 1], 31)
    houtn = lax.shift_right_logical(hn[nw - 1], 31)
    vp2 = [None] * nw
    vn2 = [None] * nw
    upp, upn = hinp, hinn
    for w in range(nw):
        shp = (hp[w] << 1) | upp
        shn = (hn[w] << 1) | upn
        if w < nw - 1:
            upp = lax.shift_right_logical(hp[w], 31)
            upn = lax.shift_right_logical(hn[w], 31)
        vp2[w] = shn | ~(shp | d0[w])
        vn2[w] = shp & d0[w]
    return vp2, vn2, houtp, houtn


def _body(ref_hbm, hyp_hbm, out_hbm, ref_v, hyp_v, peq_v, vpn_v, score_v,
          bnd_in, bnd_out, out_v, spmem):
    cid = lax.axis_index("c")
    sid = lax.axis_index("s")
    iota = lax.iota(jnp.int32, 16)
    zero = jnp.zeros((B,), jnp.int32)
    ones = zero - 1

    pltpu.sync_copy(ref_hbm.at[pl.ds(sid * (ROWS * B), ROWS * B)], ref_v)
    pltpu.sync_copy(hyp_hbm, hyp_v)

    def zero_peq(i, _):
        peq_v[pl.ds(i * B, B)] = zero
        return 0

    lax.fori_loop(0, VOCAB * W, zero_peq, 0, unroll=8)

    for w in range(W):
        def set_bit(r2, _, w=w):
            sym = ref_v[pl.ds((w * 32 + r2) * B, B)]
            idx = (sym * (W * B)) + (w * B) + iota
            bit = (zero + 1) << r2
            cur = plsc.load_gather(peq_v, [idx])
            plsc.store_scatter(peq_v, [idx], cur | bit)
            return 0

        lax.fori_loop(0, 32, set_bit, 0)

    for w in range(W):
        vpn_v[pl.ds(w * B, B)] = ones
        vpn_v[pl.ds((W + w) * B, B)] = zero
    score_v[...] = zero + R

    def step(k, _):
        b = k - sid
        valid = jnp.logical_and(b >= 0, b < NB)

        @pl.when(jnp.logical_and(valid, sid > 0))
        def _():
            slot = ((k + 1) % 2) * NSUB + (sid - 1)
            pltpu.sync_copy(spmem.at[pl.ds(slot * (2 * B), 2 * B)], bnd_in)

        @pl.when(jnp.logical_and(valid, sid == 0))
        def _():
            bnd_in[pl.ds(0, B)] = ones
            bnd_in[pl.ds(B, B)] = zero

        @pl.when(valid)
        def _():
            hinp_pack = bnd_in[pl.ds(0, B)]
            hinn_pack = bnd_in[pl.ds(B, B)]
            vp = [vpn_v[pl.ds(w * B, B)] for w in range(W)]
            vn = [vpn_v[pl.ds((W + w) * B, B)] for w in range(W)]

            def upper_col(jj):
                hv = hyp_v[pl.ds((b * CB + jj) * B, B)]
                idx0 = (hv * (W * B)) + iota
                hinp = lax.shift_right_logical(hinp_pack, jj) & 1
                hinn = lax.shift_right_logical(hinn_pack, jj) & 1
                return idx0, hinp, hinn

            idx0, hinp, hinn = upper_col(0)
            equ = [plsc.load_gather(peq_v, [idx0 + (w * B)])
                   for w in range(HW)]
            vpu, vnu, hopu, honu = _column_step(
                vp[:HW], vn[:HW], equ, hinp, hinn)

            def slot(t, carry):
                vpu, vnu, vpl, vnl, score, outp, outn, hopu, honu, idxp = \
                    carry
                idx0, hinp, hinn = upper_col(t)
                equ = [plsc.load_gather(peq_v, [idx0 + (w * B)])
                       for w in range(HW)]
                nvpu, nvnu, nhopu, nhonu = _column_step(
                    list(vpu), list(vnu), equ, hinp, hinn)
                eql = [plsc.load_gather(peq_v, [idxp + ((HW + w) * B)])
                       for w in range(W - HW)]
                nvpl, nvnl, hop, hon = _column_step(
                    list(vpl), list(vnl), eql, hopu, honu)
                score = score + hop - hon
                outp = outp | (hop << (t - 1))
                outn = outn | (hon << (t - 1))
                return (tuple(nvpu), tuple(nvnu), tuple(nvpl), tuple(nvnl),
                        score, outp, outn, nhopu, nhonu, idx0)

            vpu, vnu, vpl, vnl, score, outp, outn, hopu, honu, idxp = \
                lax.fori_loop(
                    1, CB, slot,
                    (tuple(vpu), tuple(vnu),
                     tuple(vp[HW:]), tuple(vn[HW:]),
                     score_v[...], zero, zero, hopu, honu, idx0))

            eql = [plsc.load_gather(peq_v, [idxp + ((HW + w) * B)])
                   for w in range(W - HW)]
            vpl, vnl, hop, hon = _column_step(
                list(vpl), list(vnl), eql, hopu, honu)
            score = score + hop - hon
            outp = outp | (hop << (CB - 1))
            outn = outn | (hon << (CB - 1))

            vp = list(vpu) + list(vpl)
            vn = list(vnu) + list(vnl)
            for w in range(W):
                vpn_v[pl.ds(w * B, B)] = vp[w]
                vpn_v[pl.ds((W + w) * B, B)] = vn[w]
            score_v[...] = score
            bnd_out[pl.ds(0, B)] = outp
            bnd_out[pl.ds(B, B)] = outn
            slot = (k % 2) * NSUB + sid
            pltpu.sync_copy(bnd_out, spmem.at[pl.ds(slot * (2 * B), 2 * B)])

        plsc.subcore_barrier()
        return 0

    lax.fori_loop(0, STEPS, step, 0)

    @pl.when(jnp.logical_and(cid == 0, sid == NSUB - 1))
    def _():
        out_v[...] = score_v[...].astype(jnp.float32)
        pltpu.sync_copy(out_v, out_hbm)


@jax.jit
def kernel(ref, hyp):
    mesh = plsc.VectorSubcoreMesh(core_axis_name="c", subcore_axis_name="s")
    f = functools.partial(
        pl.kernel,
        mesh=mesh,
        compiler_params=pltpu.CompilerParams(needs_layout_passes=False),
        out_type=jax.ShapeDtypeStruct((B,), jnp.float32),
        scratch_types=[
            pltpu.VMEM((ROWS * B,), jnp.int32),
            pltpu.VMEM((H * B,), jnp.int32),
            pltpu.VMEM((VOCAB * W * B,), jnp.int32),
            pltpu.VMEM((2 * W * B,), jnp.int32),
            pltpu.VMEM((B,), jnp.int32),
            pltpu.VMEM((2 * B,), jnp.int32),
            pltpu.VMEM((2 * B,), jnp.int32),
            pltpu.VMEM((B,), jnp.float32),
            pltpu.VMEM_SHARED((2 * NSUB * 2 * B,), jnp.int32),
        ],
    )(_body)
    return f(ref.reshape(R * B), hyp.reshape(H * B))

# --- scband reference (transcript-rebuilt; emitter-appended) ---
"""Pipeline reference for scband-edit-distance-46686294507889 (READ-ONLY COPY).

The authoritative reference and input builder live on the scoring server;
editing this copy changes nothing except your own understanding.
"""

import jax, jax.numpy as jnp
import numpy as np

REF_LEN = 2048
HYP_LEN = 2048
BATCH = 16
VOCAB = 1000

def setup_inputs(seed: int = 0) -> dict:
    key = jax.random.key(seed)
    k1, k2 = jax.random.split(key)
    ref = jax.random.randint(k1, (REF_LEN, BATCH), 0, VOCAB, dtype=jnp.int32)
    hyp = jax.random.randint(k2, (HYP_LEN, BATCH), 0, VOCAB, dtype=jnp.int32)
    return {"ref": ref, "hyp": hyp}

def _edit_distance(ref, hyp):
    # EditDistance with eos=None, include_eos=False, norm=False, batch_first=False,
    # ins_cost=del_cost=sub_cost=1.0, warn=False. Since all costs are equal and
    # positive, the original code collapses to the uniform Levenshtein DP with
    # mult=1.0 and ref_lens/hyp_lens = full lengths (eos is None).
    R, B = ref.shape
    # row[i] = distance of (first i ref tokens) vs (current hyp prefix)
    init_row = jnp.tile(jnp.arange(R + 1, dtype=jnp.float32)[:, None], (1, B))

    def outer_step(row, hyp_tok):
        # hyp_tok: (B,) current hypothesis token for every batch element
        neq = (ref != hyp_tok[None, :]).astype(jnp.float32)  # (R, B)
        ins = row + 1.0                                       # insertion: (R+1, B)
        sub = row[:-1] + neq                                  # substitution/match: (R, B)
        cand = jnp.concatenate([ins[:1], jnp.minimum(ins[1:], sub)], axis=0)  # (R+1, B)
        # deletion is a sequential prefix recurrence along the ref axis:
        #   new[i] = min(cand[i], new[i-1] + 1)
        def inner(carry, c):
            new = jnp.minimum(c, carry + 1.0)
            return new, new
        _, new_row = jax.lax.scan(inner, jnp.full((B,), jnp.inf, dtype=jnp.float32), cand)
        return new_row, None

    final_row, _ = jax.lax.scan(outer_step, init_row, hyp)
    # eos=None -> ref_lens = R for all batch elements; distance = row[ref_lens]
    return final_row[-1]  # (B,) float32

def reference(ref, hyp):
    return _edit_distance(ref, hyp)

if __name__ == "__main__":
    import jax
    _d = setup_inputs()
    print(jax.jit(kernel)(*tuple(_d.values())))

</pallas_src>

<mosaic_0001>
#map = affine_map<(d0, d1) -> (0)>
module attributes {stable_mosaic.version = 14 : i64} {
  func.func @_body(%arg0: i32, %arg1: i32, %arg2: memref<32768xi32, #tpu.memory_space<hbm>>, %arg3: memref<32768xi32, #tpu.memory_space<hbm>>, %arg4: memref<16xf32, #tpu.memory_space<hbm>>, %arg5: memref<2048xi32, #tpu.memory_space<vmem>>, %arg6: memref<32768xi32, #tpu.memory_space<vmem>>, %arg7: memref<64000xi32, #tpu.memory_space<vmem>>, %arg8: memref<128xi32, #tpu.memory_space<vmem>>, %arg9: memref<16xi32, #tpu.memory_space<vmem>>, %arg10: memref<32xi32, #tpu.memory_space<vmem>>, %arg11: memref<32xi32, #tpu.memory_space<vmem>>, %arg12: memref<16xf32, #tpu.memory_space<vmem>>, %arg13: memref<1024xi32, #tpu.memory_space<vmem_shared>>) attributes {dimension_semantics = [#tpu.dimension_semantics<core_parallel>, #tpu.dimension_semantics<subcore_parallel>], iteration_bounds = array<i64: 2, 16>, scalar_prefetch = 0 : i64, scratch_operands = 9 : i64, tpu.core_type = #tpu.core_type<sc_vector_subcore>, window_params = [{transform_indices = #map}, {transform_indices = #map}, {transform_indices = #map}]} {
    %iota3A = tpu.iota {dimensions = array<i32: 0>} : vector<16xi32>
    %broadcast_in_dim3A = arith.constant 0 : i32
    %broadcast_in_dim3A_0 = vector.broadcast %broadcast_in_dim3A : i32 to vector<16xi32>
    %sub3A = arith.constant 1 : i32
    %sub3A_1 = vector.broadcast %sub3A : i32 to vector<16xi32>
    %sub3A_2 = arith.subi %broadcast_in_dim3A_0, %sub3A_1 : vector<16xi32>
    %mul3A = arith.constant 2048 : i32
    %mul3A_3 = arith.muli %arg1, %mul3A : i32
    "tpu.region"() ({
      %run_scoped3A = tpu.sem_alloc : memref<!tpu.dma_semaphore, #tpu.memory_space<semaphore_mem>>
      %dma_start3A = tpu.memref_slice %arg2[%mul3A_3] : memref<32768xi32, #tpu.memory_space<hbm>> -> memref<2048xi32, #tpu.memory_space<hbm>>
      %dma_start3A_68 = tpu.memref_slice %arg2[%mul3A_3] : memref<32768xi32, #tpu.memory_space<hbm>> -> memref<2048xi32, #tpu.memory_space<hbm>>
      tpu.enqueue_dma source(%dma_start3A_68 : memref<2048xi32, #tpu.memory_space<hbm>>) target(%arg5 : memref<2048xi32, #tpu.memory_space<vmem>>) target_semaphore(%run_scoped3A : memref<!tpu.dma_semaphore, #tpu.memory_space<semaphore_mem>>)
      %dma_wait3A = tpu.memref_slice %arg2[%mul3A_3] : memref<32768xi32, #tpu.memory_space<hbm>> -> memref<2048xi32, #tpu.memory_space<hbm>>
      %dma_wait3A_69 = tpu.memref_slice %arg2[%mul3A_3] : memref<32768xi32, #tpu.memory_space<hbm>> -> memref<2048xi32, #tpu.memory_space<hbm>>
      tpu.wait_dma2 semaphore(%run_scoped3A : memref<!tpu.dma_semaphore, #tpu.memory_space<semaphore_mem>>) src(%dma_wait3A_69 : memref<2048xi32, #tpu.memory_space<hbm>>) dst(%arg5 : memref<2048xi32, #tpu.memory_space<vmem>>)
      tpu.yield
    }) : () -> ()
    "tpu.region"() ({
      %run_scoped3A = tpu.sem_alloc : memref<!tpu.dma_semaphore, #tpu.memory_space<semaphore_mem>>
      tpu.enqueue_dma source(%arg3 : memref<32768xi32, #tpu.memory_space<hbm>>) target(%arg6 : memref<32768xi32, #tpu.memory_space<vmem>>) target_semaphore(%run_scoped3A : memref<!tpu.dma_semaphore, #tpu.memory_space<semaphore_mem>>)
      tpu.wait_dma2 semaphore(%run_scoped3A : memref<!tpu.dma_semaphore, #tpu.memory_space<semaphore_mem>>) src(%arg3 : memref<32768xi32, #tpu.memory_space<hbm>>) dst(%arg6 : memref<32768xi32, #tpu.memory_space<vmem>>)
      tpu.yield
    }) : () -> ()
    %scan3A = arith.constant 0 : i32
    %scan3A_4 = arith.constant 0 : i32
    %scan3A_5 = arith.constant 4000 : i32
    %scan3A_6 = arith.addi %scan3A_4, %scan3A_5 : i32
    %scan3A_7 = arith.constant 8 : i32
    %scan3A_8 = scf.for %scan3A_68 = %scan3A_4 to %scan3A_6 step %scan3A_7 iter_args(%scan3A_69 = %scan3A) -> (i32)  : i32 {
      %mul3A_70 = arith.constant 16 : i32
      %mul3A_71 = arith.muli %scan3A_68, %mul3A_70 : i32
      %swap3A_72 = arith.index_cast %mul3A_71 : i32 to index
      %swap3A_73 = tpu.vector_load %arg7[%swap3A_72] {strides = array<i32>} : memref<64000xi32, #tpu.memory_space<vmem>>, vector<16xi32>,
      tpu.vector_store %arg7[%swap3A_72], %broadcast_in_dim3A_0 {strides = array<i32>} : memref<64000xi32, #tpu.memory_space<vmem>>, vector<16xi32>,
      %scan3A_74 = arith.constant 0 : i32
      %scan3A_75 = arith.constant 1 : i32
      %scan3A_76 = arith.addi %scan3A_68, %scan3A_75 : i32
      %mul3A_77 = arith.constant 16 : i32
      %mul3A_78 = arith.muli %scan3A_76, %mul3A_77 : i32
      %swap3A_79 = arith.index_cast %mul3A_78 : i32 to index
      %swap3A_80 = tpu.vector_load %arg7[%swap3A_79] {strides = array<i32>} : memref<64000xi32, #tpu.memory_space<vmem>>, vector<16xi32>,
      tpu.vector_store %arg7[%swap3A_79], %broadcast_in_dim3A_0 {strides = array<i32>} : memref<64000xi32, #tpu.memory_space<vmem>>, vector<16xi32>,
      %scan3A_81 = arith.constant 0 : i32
      %scan3A_82 = arith.constant 2 : i32
      %scan3A_83 = arith.addi %scan3A_68, %scan3A_82 : i32
      %mul3A_84 = arith.constant 16 : i32
      %mul3A_85 = arith.muli %scan3A_83, %mul3A_84 : i32
      %swap3A_86 = arith.index_cast %mul3A_85 : i32 to index
      %swap3A_87 = tpu.vector_load %arg7[%swap3A_86] {strides = array<i32>} : memref<64000xi32, #tpu.memory_space<vmem>>, vector<16xi32>,
      tpu.vector_store %arg7[%swap3A_86], %broadcast_in_dim3A_0 {strides = array<i32>} : memref<64000xi32, #tpu.memory_space<vmem>>, vector<16xi32>,
      %scan3A_88 = arith.constant 0 : i32
      %scan3A_89 = arith.constant 3 : i32
      %scan3A_90 = arith.addi %scan3A_68, %scan3A_89 : i32
      %mul3A_91 = arith.constant 16 : i32
      %mul3A_92 = arith.muli %scan3A_90, %mul3A_91 : i32
      %swap3A_93 = arith.index_cast %mul3A_92 : i32 to index
      %swap3A_94 = tpu.vector_load %arg7[%swap3A_93] {strides = array<i32>} : memref<64000xi32, #tpu.memory_space<vmem>>, vector<16xi32>,
      tpu.vector_store %arg7[%swap3A_93], %broadcast_in_dim3A_0 {strides = array<i32>} : memref<64000xi32, #tpu.memory_space<vmem>>, vector<16xi32>,
      %scan3A_95 = arith.constant 0 : i32
      %scan3A_96 = arith.constant 4 : i32
      %scan3A_97 = arith.addi %scan3A_68, %scan3A_96 : i32
      %mul3A_98 = arith.constant 16 : i32
      %mul3A_99 = arith.muli %scan3A_97, %mul3A_98 : i32
      %swap3A_100 = arith.index_cast %mul3A_99 : i32 to index
      %swap3A_101 = tpu.vector_load %arg7[%swap3A_100] {strides = array<i32>} : memref<64000xi32, #tpu.memory_space<vmem>>, vector<16xi32>,
      tpu.vector_store %arg7[%swap3A_100], %broadcast_in_dim3A_0 {strides = array<i32>} : memref<64000xi32, #tpu.memory_space<vmem>>, vector<16xi32>,
      %scan3A_102 = arith.constant 0 : i32
      %scan3A_103 = arith.constant 5 : i32
      %scan3A_104 = arith.addi %scan3A_68, %scan3A_103 : i32
      %mul3A_105 = arith.constant 16 : i32
      %mul3A_106 = arith.muli %scan3A_104, %mul3A_105 : i32
      %swap3A_107 = arith.index_cast %mul3A_106 : i32 to index
      %swap3A_108 = tpu.vector_load %arg7[%swap3A_107] {strides = array<i32>} : memref<64000xi32, #tpu.memory_space<vmem>>, vector<16xi32>,
      tpu.vector_store %arg7[%swap3A_107], %broadcast_in_dim3A_0 {strides = array<i32>} : memref<64000xi32, #tpu.memory_space<vmem>>, vector<16xi32>,
      %scan3A_109 = arith.constant 0 : i32
      %scan3A_110 = arith.constant 6 : i32
      %scan3A_111 = arith.addi %scan3A_68, %scan3A_110 : i32
      %mul3A_112 = arith.constant 16 : i32
      %mul3A_113 = arith.muli %scan3A_111, %mul3A_112 : i32
      %swap3A_114 = arith.index_cast %mul3A_113 : i32 to index
      %swap3A_115 = tpu.vector_load %arg7[%swap3A_114] {strides = array<i32>} : memref<64000xi32, #tpu.memory_space<vmem>>, vector<16xi32>,
      tpu.vector_store %arg7[%swap3A_114], %broadcast_in_dim3A_0 {strides = array<i32>} : memref<64000xi32, #tpu.memory_space<vmem>>, vector<16xi32>,
      %scan3A_116 = arith.constant 0 : i32
      %scan3A_117 = arith.constant 7 : i32
      %scan3A_118 = arith.addi %scan3A_68, %scan3A_117 : i32
      %mul3A_119 = arith.constant 16 : i32
      %mul3A_120 = arith.muli %scan3A_118, %mul3A_119 : i32
      %swap3A_121 = arith.index_cast %mul3A_120 : i32 to index
      %swap3A_122 = tpu.vector_load %arg7[%swap3A_121] {strides = array<i32>} : memref<64000xi32, #tpu.memory_space<vmem>>, vector<16xi32>,
      tpu.vector_store %arg7[%swap3A_121], %broadcast_in_dim3A_0 {strides = array<i32>} : memref<64000xi32, #tpu.memory_space<vmem>>, vector<16xi32>,
      %scan3A_123 = arith.constant 0 : i32
      scf.yield %scan3A_123 : i32
    }
    %scan3A_9 = arith.constant 4000 : i32
    %scan3A_10 = arith.constant 0 : i32
    %scan3A_11 = arith.constant 0 : i32
    %scan3A_12 = arith.constant 32 : i32
    %scan3A_13 = arith.addi %scan3A_11, %scan3A_12 : i32
    %scan3A_14 = arith.constant 1 : i32
    %scan3A_15 = scf.for %scan3A_68 = %scan3A_11 to %scan3A_13 step %scan3A_14 iter_args(%scan3A_69 = %scan3A_10) -> (i32)  : i32 {
      %add3A_70 = arith.constant 0 : i32
      %add3A_71 = arith.addi %add3A_70, %scan3A_68 : i32
      %mul3A_72 = arith.constant 16 : i32
      %mul3A_73 = arith.muli %add3A_71, %mul3A_72 : i32
      %get3A = arith.index_cast %mul3A_73 : i32 to index
      %get3A_74 = tpu.vector_load %arg5[%get3A] {strides = array<i32>} : memref<2048xi32, #tpu.memory_space<vmem>>, vector<16xi32>,
      %mul3A_75 = arith.constant 64 : i32
      %mul3A_76 = vector.broadcast %mul3A_75 : i32 to vector<16xi32>
      %mul3A_77 = arith.muli %get3A_74, %mul3A_76 : vector<16xi32>
      %add3A_78 = arith.constant 0 : i32
      %add3A_79 = vector.broadcast %add3A_78 : i32 to vector<16xi32>
      %add3A_80 = arith.addi %mul3A_77, %add3A_79 : vector<16xi32>
      %add3A_81 = arith.addi %add3A_80, %iota3A : vector<16xi32>
      %add3A_82 = arith.constant 1 : i32
      %add3A_83 = vector.broadcast %add3A_82 : i32 to vector<16xi32>
      %add3A_84 = arith.addi %broadcast_in_dim3A_0, %add3A_83 : vector<16xi32>
      %shift_left3A = vector.broadcast %scan3A_68 : i32 to vector<16xi32>
      %shift_left3A_85 = arith.shli %add3A_84, %shift_left3A : vector<16xi32>
      %gather3A = tpu.vector_load_idx %arg7[%add3A_81] : memref<64000xi32, #tpu.memory_space<vmem>>[vector<16xi32>], vector<16xi32>,
      %or3A = arith.ori %gather3A, %shift_left3A_85 : vector<16xi32>
      tpu.vector_store_idx %arg7[%add3A_81], %or3A : memref<64000xi32, #tpu.memory_space<vmem>>[vector<16xi32>], vector<16xi32>,
      %scan3A_86 = arith.constant 0 : i32
      scf.yield %scan3A_86 : i32
    }
    %scan3A_16 = arith.constant 32 : i32
    %scan3A_17 = arith.constant 0 : i32
    %scan3A_18 = arith.constant 0 : i32
    %scan3A_19 = arith.constant 32 : i32
    %scan3A_20 = arith.addi %scan3A_18, %scan3A_19 : i32
    %scan3A_21 = arith.constant 1 : i32
    %scan3A_22 = scf.for %scan3A_68 = %scan3A_18 to %scan3A_20 step %scan3A_21 iter_args(%scan3A_69 = %scan3A_17) -> (i32)  : i32 {
      %add3A_70 = arith.constant 32 : i32
      %add3A_71 = arith.addi %add3A_70, %scan3A_68 : i32
      %mul3A_72 = arith.constant 16 : i32
      %mul3A_73 = arith.muli %add3A_71, %mul3A_72 : i32
      %get3A = arith.index_cast %mul3A_73 : i32 to index
      %get3A_74 = tpu.vector_load %arg5[%get3A] {strides = array<i32>} : memref<2048xi32, #tpu.memory_space<vmem>>, vector<16xi32>,
      %mul3A_75 = arith.constant 64 : i32
      %mul3A_76 = vector.broadcast %mul3A_75 : i32 to vector<16xi32>
      %mul3A_77 = arith.muli %get3A_74, %mul3A_76 : vector<16xi32>
      %add3A_78 = arith.constant 16 : i32
      %add3A_79 = vector.broadcast %add3A_78 : i32 to vector<16xi32>
      %add3A_80 = arith.addi %mul3A_77, %add3A_79 : vector<16xi32>
      %add3A_81 = arith.addi %add3A_80, %iota3A : vector<16xi32>
      %add3A_82 = arith.constant 1 : i32
      %add3A_83 = vector.broadcast %add3A_82 : i32 to vector<16xi32>
      %add3A_84 = arith.addi %broadcast_in_dim3A_0, %add3A_83 : vector<16xi32>
      %shift_left3A = vector.broadcast %scan3A_68 : i32 to vector<16xi32>
      %shift_left3A_85 = arith.shli %add3A_84, %shift_left3A : vector<16xi32>
      %gather3A = tpu.vector_load_idx %arg7[%add3A_81] : memref<64000xi32, #tpu.memory_space<vmem>>[vector<16xi32>], vector<16xi32>,
      %or3A = arith.ori %gather3A, %shift_left3A_85 : vector<16xi32>
      tpu.vector_store_idx %arg7[%add3A_81], %or3A : memref<64000xi32, #tpu.memory_space<vmem>>[vector<16xi32>], vector<16xi32>,
      %scan3A_86 = arith.constant 0 : i32
      scf.yield %scan3A_86 : i32
    }
    %scan3A_23 = arith.constant 32 : i32
    %scan3A_24 = arith.constant 0 : i32
    %scan3A_25 = arith.constant 0 : i32
    %scan3A_26 = arith.constant 32 : i32
    %scan3A_27 = arith.addi %scan3A_25, %scan3A_26 : i32
    %scan3A_28 = arith.constant 1 : i32
    %scan3A_29 = scf.for %scan3A_68 = %scan3A_25 to %scan3A_27 step %scan3A_28 iter_args(%scan3A_69 = %scan3A_24) -> (i32)  : i32 {
      %add3A_70 = arith.constant 64 : i32
      %add3A_71 = arith.addi %add3A_70, %scan3A_68 : i32
      %mul3A_72 = arith.constant 16 : i32
      %mul3A_73 = arith.muli %add3A_71, %mul3A_72 : i32
      %get3A = arith.index_cast %mul3A_73 : i32 to index
      %get3A_74 = tpu.vector_load %arg5[%get3A] {strides = array<i32>} : memref<2048xi32, #tpu.memory_space<vmem>>, vector<16xi32>,
      %mul3A_75 = arith.constant 64 : i32
      %mul3A_76 = vector.broadcast %mul3A_75 : i32 to vector<16xi32>
      %mul3A_77 = arith.muli %get3A_74, %mul3A_76 : vector<16xi32>
      %add3A_78 = arith.constant 32 : i32
      %add3A_79 = vector.broadcast %add3A_78 : i32 to vector<16xi32>
      %add3A_80 = arith.addi %mul3A_77, %add3A_79 : vector<16xi32>
      %add3A_81 = arith.addi %add3A_80, %iota3A : vector<16xi32>
      %add3A_82 = arith.constant 1 : i32
      %add3A_83 = vector.broadcast %add3A_82 : i32 to vector<16xi32>
      %add3A_84 = arith.addi %broadcast_in_dim3A_0, %add3A_83 : vector<16xi32>
      %shift_left3A = vector.broadcast %scan3A_68 : i32 to vector<16xi32>
      %shift_left3A_85 = arith.shli %add3A_84, %shift_left3A : vector<16xi32>
      %gather3A = tpu.vector_load_idx %arg7[%add3A_81] : memref<64000xi32, #tpu.memory_space<vmem>>[vector<16xi32>], vector<16xi32>,
      %or3A = arith.ori %gather3A, %shift_left3A_85 : vector<16xi32>
      tpu.vector_store_idx %arg7[%add3A_81], %or3A : memref<64000xi32, #tpu.memory_space<vmem>>[vector<16xi32>], vector<16xi32>,
      %scan3A_86 = arith.constant 0 : i32
      scf.yield %scan3A_86 : i32
    }
    %scan3A_30 = arith.constant 32 : i32
    %scan3A_31 = arith.constant 0 : i32
    %scan3A_32 = arith.constant 0 : i32
    %scan3A_33 = arith.constant 32 : i32
    %scan3A_34 = arith.addi %scan3A_32, %scan3A_33 : i32
    %scan3A_35 = arith.constant 1 : i32
    %scan3A_36 = scf.for %scan3A_68 = %scan3A_32 to %scan3A_34 step %scan3A_35 iter_args(%scan3A_69 = %scan3A_31) -> (i32)  : i32 {
      %add3A_70 = arith.constant 96 : i32
      %add3A_71 = arith.addi %add3A_70, %scan3A_68 : i32
      %mul3A_72 = arith.constant 16 : i32
      %mul3A_73 = arith.muli %add3A_71, %mul3A_72 : i32
      %get3A = arith.index_cast %mul3A_73 : i32 to index
      %get3A_74 = tpu.vector_load %arg5[%get3A] {strides = array<i32>} : memref<2048xi32, #tpu.memory_space<vmem>>, vector<16xi32>,
      %mul3A_75 = arith.constant 64 : i32
      %mul3A_76 = vector.broadcast %mul3A_75 : i32 to vector<16xi32>
      %mul3A_77 = arith.muli %get3A_74, %mul3A_76 : vector<16xi32>
      %add3A_78 = arith.constant 48 : i32
      %add3A_79 = vector.broadcast %add3A_78 : i32 to vector<16xi32>
      %add3A_80 = arith.addi %mul3A_77, %add3A_79 : vector<16xi32>
      %add3A_81 = arith.addi %add3A_80, %iota3A : vector<16xi32>
      %add3A_82 = arith.constant 1 : i32
      %add3A_83 = vector.broadcast %add3A_82 : i32 to vector<16xi32>
      %add3A_84 = arith.addi %broadcast_in_dim3A_0, %add3A_83 : vector<16xi32>
      %shift_left3A = vector.broadcast %scan3A_68 : i32 to vector<16xi32>
      %shift_left3A_85 = arith.shli %add3A_84, %shift_left3A : vector<16xi32>
      %gather3A = tpu.vector_load_idx %arg7[%add3A_81] : memref<64000xi32, #tpu.memory_space<vmem>>[vector<16xi32>], vector<16xi32>,
      %or3A = arith.ori %gather3A, %shift_left3A_85 : vector<16xi32>
      tpu.vector_store_idx %arg7[%add3A_81], %or3A : memref<64000xi32, #tpu.memory_space<vmem>>[vector<16xi32>], vector<16xi32>,
      %scan3A_86 = arith.constant 0 : i32
      scf.yield %scan3A_86 : i32
    }
    %scan3A_37 = arith.constant 32 : i32
    %swap3A = arith.constant 0 : index
    %swap3A_38 = tpu.vector_load %arg8[%swap3A] {strides = array<i32>} : memref<128xi32, #tpu.memory_space<vmem>>, vector<16xi32>,
    tpu.vector_store %arg8[%swap3A], %sub3A_2 {strides = array<i32>} : memref<128xi32, #tpu.memory_space<vmem>>, vector<16xi32>,
    %swap3A_39 = arith.constant 64 : index
    %swap3A_40 = tpu.vector_load %arg8[%swap3A_39] {strides = array<i32>} : memref<128xi32, #tpu.memory_space<vmem>>, vector<16xi32>,
    tpu.vector_store %arg8[%swap3A_39], %broadcast_in_dim3A_0 {strides = array<i32>} : memref<128xi32, #tpu.memory_space<vmem>>, vector<16xi32>,
    %swap3A_41 = arith.constant 16 : index
    %swap3A_42 = tpu.vector_load %arg8[%swap3A_41] {strides = array<i32>} : memref<128xi32, #tpu.memory_space<vmem>>, vector<16xi32>,
    tpu.vector_store %arg8[%swap3A_41], %sub3A_2 {strides = array<i32>} : memref<128xi32, #tpu.memory_space<vmem>>, vector<16xi32>,
    %swap3A_43 = arith.constant 80 : index
    %swap3A_44 = tpu.vector_load %arg8[%swap3A_43] {strides = array<i32>} : memref<128xi32, #tpu.memory_space<vmem>>, vector<16xi32>,
    tpu.vector_store %arg8[%swap3A_43], %broadcast_in_dim3A_0 {strides = array<i32>} : memref<128xi32, #tpu.memory_space<vmem>>, vector<16xi32>,
    %swap3A_45 = arith.constant 32 : index
    %swap3A_46 = tpu.vector_load %arg8[%swap3A_45] {strides = array<i32>} : memref<128xi32, #tpu.memory_space<vmem>>, vector<16xi32>,
    tpu.vector_store %arg8[%swap3A_45], %sub3A_2 {strides = array<i32>} : memref<128xi32, #tpu.memory_space<vmem>>, vector<16xi32>,
    %swap3A_47 = arith.constant 96 : index
    %swap3A_48 = tpu.vector_load %arg8[%swap3A_47] {strides = array<i32>} : memref<128xi32, #tpu.memory_space<vmem>>, vector<16xi32>,
    tpu.vector_store %arg8[%swap3A_47], %broadcast_in_dim3A_0 {strides = array<i32>} : memref<128xi32, #tpu.memory_space<vmem>>, vector<16xi32>,
    %swap3A_49 = arith.constant 48 : index
    %swap3A_50 = tpu.vector_load %arg8[%swap3A_49] {strides = array<i32>} : memref<128xi32, #tpu.memory_space<vmem>>, vector<16xi32>,
    tpu.vector_store %arg8[%swap3A_49], %sub3A_2 {strides = array<i32>} : memref<128xi32, #tpu.memory_space<vmem>>, vector<16xi32>,
    %swap3A_51 = arith.constant 112 : index
    %swap3A_52 = tpu.vector_load %arg8[%swap3A_51] {strides = array<i32>} : memref<128xi32, #tpu.memory_space<vmem>>, vector<16xi32>,
    tpu.vector_store %arg8[%swap3A_51], %broadcast_in_dim3A_0 {strides = array<i32>} : memref<128xi32, #tpu.memory_space<vmem>>, vector<16xi32>,
    %add3A = arith.constant 2048 : i32
    %add3A_53 = vector.broadcast %add3A : i32 to vector<16xi32>
    %add3A_54 = arith.addi %broadcast_in_dim3A_0, %add3A_53 : vector<16xi32>
    %swap3A_55 = arith.constant 0 : index
    %swap3A_56 = tpu.vector_load %arg9[%swap3A_55] {strides = array<i32>} : memref<16xi32, #tpu.memory_space<vmem>>, vector<16xi32>,
    tpu.vector_store %arg9[%swap3A_55], %add3A_54 {strides = array<i32>} : memref<16xi32, #tpu.memory_space<vmem>>, vector<16xi32>,
    %scan3A_57 = arith.constant 0 : i32
    %scan3A_58 = arith.constant 0 : i32
    %scan3A_59 = arith.constant 79 : i32
    %scan3A_60 = arith.addi %scan3A_58, %scan3A_59 : i32
    %scan3A_61 = arith.constant 1 : i32
    %scan3A_62 = scf.for %scan3A_68 = %scan3A_58 to %scan3A_60 step %scan3A_61 iter_args(%scan3A_69 = %scan3A_57) -> (i32)  : i32 {
      %sub3A_70 = arith.subi %scan3A_68, %arg1 : i32
      %ge3A = arith.constant 0 : i32
      %ge3A_71 = arith.cmpi sge, %sub3A_70, %ge3A : i32
      %lt3A = arith.constant 64 : i32
      %lt3A_72 = arith.cmpi slt, %sub3A_70, %lt3A : i32
      %and3A_73 = arith.andi %ge3A_71, %lt3A_72 : i1
      %gt3A = arith.constant 0 : i32
      %gt3A_74 = arith.cmpi sgt, %arg1, %gt3A : i32
      %and3A_75 = arith.andi %and3A_73, %gt3A_74 : i1
      %convert_element_type3A_76 = arith.extui %and3A_75 : i1 to i32
      %cond3A_77 = arith.constant 0 : i32
      %cond3A_78 = arith.cmpi ne, %convert_element_type3A_76, %cond3A_77 : i32
      scf.if %cond3A_78 {
        %add3A_89 = arith.constant 1 : i32
        %add3A_90 = arith.addi %scan3A_68, %add3A_89 : i32
        %jit3A = arith.constant 2 : i32
        %eq3A_91 = arith.constant 0 : i32
        %eq3A_92 = arith.cmpi eq, %jit3A, %eq3A_91 : i32
        %jit3A_93 = arith.constant 1 : i32
        %select_n3A = arith.select %eq3A_92, %jit3A_93, %jit3A : i32
        %rem3A = arith.remsi %add3A_90, %select_n3A : i32
        %ne3A = arith.constant 0 : i32
        %ne3A_94 = arith.cmpi ne, %rem3A, %ne3A : i32
        %lt3A_95 = arith.constant 0 : i32
        %lt3A_96 = arith.cmpi slt, %rem3A, %lt3A_95 : i32
        %lt3A_97 = arith.constant 0 : i32
        %lt3A_98 = arith.cmpi slt, %select_n3A, %lt3A_97 : i32
        %ne3A_99 = arith.xori %lt3A_96, %lt3A_98 : i1
        %and3A_100 = arith.andi %ne3A_99, %ne3A_94 : i1
        %add3A_101 = arith.addi %rem3A, %select_n3A : i32
        %select_n3A_102 = arith.select %and3A_100, %add3A_101, %rem3A : i32
        %mul3A_103 = arith.constant 16 : i32
        %mul3A_104 = arith.muli %select_n3A_102, %mul3A_103 : i32
        %sub3A_105 = arith.constant 1 : i32
        %sub3A_106 = arith.subi %arg1, %sub3A_105 : i32
        %add3A_107 = arith.addi %mul3A_104, %sub3A_106 : i32
        %mul3A_108 = arith.constant 32 : i32
        %mul3A_109 = arith.muli %add3A_107, %mul3A_108 : i32
        "tpu.region"() ({
          %run_scoped3A = tpu.sem_alloc : memref<!tpu.dma_semaphore, #tpu.memory_space<semaphore_mem>>
          %dma_start3A = tpu.memref_slice %arg13[%mul3A_109] : memref<1024xi32, #tpu.memory_space<vmem_shared>> -> memref<32xi32, #tpu.memory_space<vmem_shared>>
          %dma_start3A_110 = tpu.memref_slice %arg13[%mul3A_109] : memref<1024xi32, #tpu.memory_space<vmem_shared>> -> memref<32xi32, #tpu.memory_space<vmem_shared>>
          tpu.enqueue_dma source(%dma_start3A_110 : memref<32xi32, #tpu.memory_space<vmem_shared>>) target(%arg10 : memref<32xi32, #tpu.memory_space<vmem>>) target_semaphore(%run_scoped3A : memref<!tpu.dma_semaphore, #tpu.memory_space<semaphore_mem>>)
          %dma_wait3A = tpu.memref_slice %arg13[%mul3A_109] : memref<1024xi32, #tpu.memory_space<vmem_shared>> -> memref<32xi32, #tpu.memory_space<vmem_shared>>
          %dma_wait3A_111 = tpu.memref_slice %arg13[%mul3A_109] : memref<1024xi32, #tpu.memory_space<vmem_shared>> -> memref<32xi32, #tpu.memory_space<vmem_shared>>
          tpu.wait_dma2 semaphore(%run_scoped3A : memref<!tpu.dma_semaphore, #tpu.memory_space<semaphore_mem>>) src(%dma_wait3A_111 : memref<32xi32, #tpu.memory_space<vmem_shared>>) dst(%arg10 : memref<32xi32, #tpu.memory_space<vmem>>)
          tpu.yield
        }) : () -> ()
      } else {
      }
      %eq3A_79 = arith.constant 0 : i32
      %eq3A_80 = arith.cmpi eq, %arg1, %eq3A_79 : i32
      %and3A_81 = arith.andi %and3A_73, %eq3A_80 : i1
      %convert_element_type3A_82 = arith.extui %and3A_81 : i1 to i32
      %cond3A_83 = arith.constant 0 : i32
      %cond3A_84 = arith.cmpi ne, %convert_element_type3A_82, %cond3A_83 : i32
      scf.if %cond3A_84 {
        %swap3A_89 = arith.constant 0 : index
        %swap3A_90 = tpu.vector_load %arg10[%swap3A_89] {strides = array<i32>} : memref<32xi32, #tpu.memory_space<vmem>>, vector<16xi32>,
        tpu.vector_store %arg10[%swap3A_89], %sub3A_2 {strides = array<i32>} : memref<32xi32, #tpu.memory_space<vmem>>, vector<16xi32>,
        %swap3A_91 = arith.constant 16 : index
        %swap3A_92 = tpu.vector_load %arg10[%swap3A_91] {strides = array<i32>} : memref<32xi32, #tpu.memory_space<vmem>>, vector<16xi32>,
        tpu.vector_store %arg10[%swap3A_91], %broadcast_in_dim3A_0 {strides = array<i32>} : memref<32xi32, #tpu.memory_space<vmem>>, vector<16xi32>,
      } else {
      }
      %convert_element_type3A_85 = arith.extui %and3A_73 : i1 to i32
      %cond3A_86 = arith.constant 0 : i32
      %cond3A_87 = arith.cmpi ne, %convert_element_type3A_85, %cond3A_86 : i32
      scf.if %cond3A_87 {
        %get3A = arith.constant 0 : index
        %get3A_89 = tpu.vector_load %arg10[%get3A] {strides = array<i32>} : memref<32xi32, #tpu.memory_space<vmem>>, vector<16xi32>,
        %get3A_90 = arith.constant 16 : index
        %get3A_91 = tpu.vector_load %arg10[%get3A_90] {strides = array<i32>} : memref<32xi32, #tpu.memory_space<vmem>>, vector<16xi32>,
        %get3A_92 = arith.constant 0 : index
        %get3A_93 = tpu.vector_load %arg8[%get3A_92] {strides = array<i32>} : memref<128xi32, #tpu.memory_space<vmem>>, vector<16xi32>,
        %get3A_94 = arith.constant 16 : index
        %get3A_95 = tpu.vector_load %arg8[%get3A_94] {strides = array<i32>} : memref<128xi32, #tpu.memory_space<vmem>>, vector<16xi32>,
        %get3A_96 = arith.constant 32 : index
        %get3A_97 = tpu.vector_load %arg8[%get3A_96] {strides = array<i32>} : memref<128xi32, #tpu.memory_space<vmem>>, vector<16xi32>,
        %get3A_98 = arith.constant 48 : index
        %get3A_99 = tpu.vector_load %arg8[%get3A_98] {strides = array<i32>} : memref<128xi32, #tpu.memory_space<vmem>>, vector<16xi32>,
        %get3A_100 = arith.constant 64 : index
        %get3A_101 = tpu.vector_load %arg8[%get3A_100] {strides = array<i32>} : memref<128xi32, #tpu.memory_space<vmem>>, vector<16xi32>,
        %get3A_102 = arith.constant 80 : index
        %get3A_103 = tpu.vector_load %arg8[%get3A_102] {strides = array<i32>} : memref<128xi32, #tpu.memory_space<vmem>>, vector<16xi32>,
        %get3A_104 = arith.constant 96 : index
        %get3A_105 = tpu.vector_load %arg8[%get3A_104] {strides = array<i32>} : memref<128xi32, #tpu.memory_space<vmem>>, vector<16xi32>,
        %get3A_106 = arith.constant 112 : index
        %get3A_107 = tpu.vector_load %arg8[%get3A_106] {strides = array<i32>} : memref<128xi32, #tpu.memory_space<vmem>>, vector<16xi32>,
        %mul3A_108 = arith.constant 32 : i32
        %mul3A_109 = arith.muli %sub3A_70, %mul3A_108 : i32
        %add3A_110 = arith.constant 0 : i32
        %add3A_111 = arith.addi %mul3A_109, %add3A_110 : i32
        %mul3A_112 = arith.constant 16 : i32
        %mul3A_113 = arith.muli %add3A_111, %mul3A_112 : i32
        %get3A_114 = arith.index_cast %mul3A_113 : i32 to index
        %get3A_115 = tpu.vector_load %arg6[%get3A_114] {strides = array<i32>} : memref<32768xi32, #tpu.memory_space<vmem>>, vector<16xi32>,
        %mul3A_116 = arith.constant 64 : i32
        %mul3A_117 = vector.broadcast %mul3A_116 : i32 to vector<16xi32>
        %mul3A_118 = arith.muli %get3A_115, %mul3A_117 : vector<16xi32>
        %add3A_119 = arith.addi %mul3A_118, %iota3A : vector<16xi32>
        %shift_right_logical3A = arith.constant 0 : i32
        %shift_right_logical3A_120 = vector.broadcast %shift_right_logical3A : i32 to vector<16xi32>
        %shift_right_logical3A_121 = arith.shrui %get3A_89, %shift_right_logical3A_120 : vector<16xi32>
        %and3A_122 = arith.constant 1 : i32
        %and3A_123 = vector.broadcast %and3A_122 : i32 to vector<16xi32>
        %and3A_124 = arith.andi %shift_right_logical3A_121, %and3A_123 : vector<16xi32>
        %shift_right_logical3A_125 = arith.constant 0 : i32
        %shift_right_logical3A_126 = vector.broadcast %shift_right_logical3A_125 : i32 to vector<16xi32>
        %shift_right_logical3A_127 = arith.shrui %get3A_91, %shift_right_logical3A_126 : vector<16xi32>
        %and3A_128 = arith.constant 1 : i32
        %and3A_129 = vector.broadcast %and3A_128 : i32 to vector<16xi32>
        %and3A_130 = arith.andi %shift_right_logical3A_127, %and3A_129 : vector<16xi32>
        %add3A_131 = arith.constant 0 : i32
        %add3A_132 = vector.broadcast %add3A_131 : i32 to vector<16xi32>
        %add3A_133 = arith.addi %add3A_119, %add3A_132 : vector<16xi32>
        %gather3A = tpu.vector_load_idx %arg7[%add3A_133] : memref<64000xi32, #tpu.memory_space<vmem>>[vector<16xi32>], vector<16xi32>,
        %add3A_134 = arith.constant 16 : i32
        %add3A_135 = vector.broadcast %add3A_134 : i32 to vector<16xi32>
        %add3A_136 = arith.addi %add3A_119, %add3A_135 : vector<16xi32>
        %gather3A_137 = tpu.vector_load_idx %arg7[%add3A_136] : memref<64000xi32, #tpu.memory_space<vmem>>[vector<16xi32>], vector<16xi32>,
        %or3A = arith.ori %gather3A, %get3A_101 : vector<16xi32>
        %or3A_138 = arith.ori %gather3A_137, %get3A_103 : vector<16xi32>
        %or3A_139 = arith.ori %or3A, %and3A_130 : vector<16xi32>
        %and3A_140 = arith.andi %or3A_139, %get3A_93 : vector<16xi32>
        %add3A_141 = arith.addi %get3A_93, %and3A_140 : vector<16xi32>
        %lt3A_142 = arith.cmpi ult, %add3A_141, %get3A_93 : vector<16xi32>
        %convert_element_type3A_143 = arith.extui %lt3A_142 : vector<16xi1> to vector<16xi32>
        %xor3A = arith.xori %add3A_141, %get3A_93 : vector<16xi32>
        %or3A_144 = arith.ori %xor3A, %or3A_139 : vector<16xi32>
        %and3A_145 = arith.andi %or3A_138, %get3A_95 : vector<16xi32>
        %add3A_146 = arith.addi %get3A_95, %and3A_145 : vector<16xi32>
        %add3A_147 = arith.addi %add3A_146, %convert_element_type3A_143 : vector<16xi32>
        %xor3A_148 = arith.xori %add3A_147, %get3A_95 : vector<16xi32>
        %or3A_149 = arith.ori %xor3A_148, %or3A_138 : vector<16xi32>
        %and3A_150 = arith.andi %get3A_93, %or3A_144 : vector<16xi32>
        %and3A_151 = arith.andi %get3A_95, %or3A_149 : vector<16xi32>
        %or3A_152 = arith.ori %get3A_93, %or3A_144 : vector<16xi32>
        %not3A = arith.constant dense<-1> : vector<16xi32>
        %not3A_153 = arith.xori %or3A_152, %not3A : vector<16xi32>
        %or3A_154 = arith.ori %get3A_101, %not3A_153 : vector<16xi32>
        %or3A_155 = arith.ori %get3A_95, %or3A_149 : vector<16xi32>
        %not3A_156 = arith.constant dense<-1> : vector<16xi32>
        %not3A_157 = arith.xori %or3A_155, %not3A_156 : vector<16xi32>
        %or3A_158 = arith.ori %get3A_103, %not3A_157 : vector<16xi32>
        %shift_right_logical3A_159 = arith.constant 31 : i32
        %shift_right_logical3A_160 = vector.broadcast %shift_right_logical3A_159 : i32 to vector<16xi32>
        %shift_right_logical3A_161 = arith.shrui %or3A_158, %shift_right_logical3A_160 : vector<16xi32>
        %shift_right_logical3A_162 = arith.constant 31 : i32
        %shift_right_logical3A_163 = vector.broadcast %shift_right_logical3A_162 : i32 to vector<16xi32>
        %shift_right_logical3A_164 = arith.shrui %and3A_151, %shift_right_logical3A_163 : vector<16xi32>
        %shift_left3A = arith.constant 1 : i32
        %shift_left3A_165 = vector.broadcast %shift_left3A : i32 to vector<16xi32>
        %shift_left3A_166 = arith.shli %or3A_154, %shift_left3A_165 : vector<16xi32>
        %or3A_167 = arith.ori %shift_left3A_166, %and3A_124 : vector<16xi32>
        %shift_left3A_168 = arith.constant 1 : i32
        %shift_left3A_169 = vector.broadcast %shift_left3A_168 : i32 to vector<16xi32>
        %shift_left3A_170 = arith.shli %and3A_150, %shift_left3A_169 : vector<16xi32>
        %or3A_171 = arith.ori %shift_left3A_170, %and3A_130 : vector<16xi32>
        %shift_right_logical3A_172 = arith.constant 31 : i32
        %shift_right_logical3A_173 = vector.broadcast %shift_right_logical3A_172 : i32 to vector<16xi32>
        %shift_right_logical3A_174 = arith.shrui %or3A_154, %shift_right_logical3A_173 : vector<16xi32>
        %shift_right_logical3A_175 = arith.constant 31 : i32
        %shift_right_logical3A_176 = vector.broadcast %shift_right_logical3A_175 : i32 to vector<16xi32>
        %shift_right_logical3A_177 = arith.shrui %and3A_150, %shift_right_logical3A_176 : vector<16xi32>
        %or3A_178 = arith.ori %or3A_167, %or3A_144 : vector<16xi32>
        %not3A_179 = arith.constant dense<-1> : vector<16xi32>
        %not3A_180 = arith.xori %or3A_178, %not3A_179 : vector<16xi32>
        %or3A_181 = arith.ori %or3A_171, %not3A_180 : vector<16xi32>
        %and3A_182 = arith.andi %or3A_167, %or3A_144 : vector<16xi32>
        %shift_left3A_183 = arith.constant 1 : i32
        %shift_left3A_184 = vector.broadcast %shift_left3A_183 : i32 to vector<16xi32>
        %shift_left3A_185 = arith.shli %or3A_158, %shift_left3A_184 : vector<16xi32>
        %or3A_186 = arith.ori %shift_left3A_185, %shift_right_logical3A_174 : vector<16xi32>
        %shift_left3A_187 = arith.constant 1 : i32
        %shift_left3A_188 = vector.broadcast %shift_left3A_187 : i32 to vector<16xi32>
        %shift_left3A_189 = arith.shli %and3A_151, %shift_left3A_188 : vector<16xi32>
        %or3A_190 = arith.ori %shift_left3A_189, %shift_right_logical3A_177 : vector<16xi32>
        %or3A_191 = arith.ori %or3A_186, %or3A_149 : vector<16xi32>
        %not3A_192 = arith.constant dense<-1> : vector<16xi32>
        %not3A_193 = arith.xori %or3A_191, %not3A_192 : vector<16xi32>
        %or3A_194 = arith.ori %or3A_190, %not3A_193 : vector<16xi32>
        %and3A_195 = arith.andi %or3A_186, %or3A_149 : vector<16xi32>
        %get3A_196 = arith.constant 0 : index
        %get3A_197 = tpu.vector_load %arg9[%get3A_196] {strides = array<i32>} : memref<16xi32, #tpu.memory_space<vmem>>, vector<16xi32>,
        %scan3A_198 = arith.constant 1 : i32
        %scan3A_199 = arith.constant 31 : i32
        %scan3A_200 = arith.addi %scan3A_198, %scan3A_199 : i32
        %scan3A_201 = arith.constant 1 : i32
        %scan3A_202:14 = scf.for %scan3A_323 = %scan3A_198 to %scan3A_200 step %scan3A_201 iter_args(%scan3A_324 = %or3A_181, %scan3A_325 = %or3A_194, %scan3A_326 = %and3A_182, %scan3A_327 = %and3A_195, %scan3A_328 = %get3A_97, %scan3A_329 = %get3A_99, %scan3A_330 = %get3A_105, %scan3A_331 = %get3A_107, %scan3A_332 = %get3A_197, %scan3A_333 = %broadcast_in_dim3A_0, %scan3A_334 = %broadcast_in_dim3A_0, %scan3A_335 = %shift_right_logical3A_161, %scan3A_336 = %shift_right_logical3A_164, %scan3A_337 = %add3A_119) -> (vector<16xi32>, vector<16xi32>, vector<16xi32>, vector<16xi32>, vector<16xi32>, vector<16xi32>, vector<16xi32>, vector<16xi32>, vector<16xi32>, vector<16xi32>, vector<16xi32>, vector<16xi32>, vector<16xi32>, vector<16xi32>)  : i32 {
          %mul3A_338 = arith.constant 32 : i32
          %mul3A_339 = arith.muli %sub3A_70, %mul3A_338 : i32
          %add3A_340 = arith.addi %mul3A_339, %scan3A_323 : i32
          %mul3A_341 = arith.constant 16 : i32
          %mul3A_342 = arith.muli %add3A_340, %mul3A_341 : i32
          %get3A_343 = arith.index_cast %mul3A_342 : i32 to index
          %get3A_344 = tpu.vector_load %arg6[%get3A_343] {strides = array<i32>} : memref<32768xi32, #tpu.memory_space<vmem>>, vector<16xi32>,
          %mul3A_345 = arith.constant 64 : i32
          %mul3A_346 = vector.broadcast %mul3A_345 : i32 to vector<16xi32>
          %mul3A_347 = arith.muli %get3A_344, %mul3A_346 : vector<16xi32>
          %add3A_348 = arith.addi %mul3A_347, %iota3A : vector<16xi32>
          %shift_right_logical3A_349 = vector.broadcast %scan3A_323 : i32 to vector<16xi32>
          %shift_right_logical3A_350 = arith.shrui %get3A_89, %shift_right_logical3A_349 : vector<16xi32>
          %and3A_351 = arith.constant 1 : i32
          %and3A_352 = vector.broadcast %and3A_351 : i32 to vector<16xi32>
          %and3A_353 = arith.andi %shift_right_logical3A_350, %and3A_352 : vector<16xi32>
          %shift_right_logical3A_354 = vector.broadcast %scan3A_323 : i32 to vector<16xi32>
          %shift_right_logical3A_355 = arith.shrui %get3A_91, %shift_right_logical3A_354 : vector<16xi32>
          %and3A_356 = arith.constant 1 : i32
          %and3A_357 = vector.broadcast %and3A_356 : i32 to vector<16xi32>
          %and3A_358 = arith.andi %shift_right_logical3A_355, %and3A_357 : vector<16xi32>
          %add3A_359 = arith.constant 0 : i32
          %add3A_360 = vector.broadcast %add3A_359 : i32 to vector<16xi32>
          %add3A_361 = arith.addi %add3A_348, %add3A_360 : vector<16xi32>
          %gather3A_362 = tpu.vector_load_idx %arg7[%add3A_361] : memref<64000xi32, #tpu.memory_space<vmem>>[vector<16xi32>], vector<16xi32>,
          %add3A_363 = arith.constant 16 : i32
          %add3A_364 = vector.broadcast %add3A_363 : i32 to vector<16xi32>
          %add3A_365 = arith.addi %add3A_348, %add3A_364 : vector<16xi32>
          %gather3A_366 = tpu.vector_load_idx %arg7[%add3A_365] : memref<64000xi32, #tpu.memory_space<vmem>>[vector<16xi32>], vector<16xi32>,
          %or3A_367 = arith.ori %gather3A_362, %scan3A_326 : vector<16xi32>
          %or3A_368 = arith.ori %gather3A_366, %scan3A_327 : vector<16xi32>
          %or3A_369 = arith.ori %or3A_367, %and3A_358 : vector<16xi32>
          %and3A_370 = arith.andi %or3A_369, %scan3A_324 : vector<16xi32>
          %add3A_371 = arith.addi %scan3A_324, %and3A_370 : vector<16xi32>
          %lt3A_372 = arith.cmpi ult, %add3A_371, %scan3A_324 : vector<16xi32>
          %convert_element_type3A_373 = arith.extui %lt3A_372 : vector<16xi1> to vector<16xi32>
          %xor3A_374 = arith.xori %add3A_371, %scan3A_324 : vector<16xi32>
          %or3A_375 = arith.ori %xor3A_374, %or3A_369 : vector<16xi32>
          %and3A_376 = arith.andi %or3A_368, %scan3A_325 : vector<16xi32>
          %add3A_377 = arith.addi %scan3A_325, %and3A_376 : vector<16xi32>
          %add3A_378 = arith.addi %add3A_377, %convert_element_type3A_373 : vector<16xi32>
          %xor3A_379 = arith.xori %add3A_378, %scan3A_325 : vector<16xi32>
          %or3A_380 = arith.ori %xor3A_379, %or3A_368 : vector<16xi32>
          %and3A_381 = arith.andi %scan3A_324, %or3A_375 : vector<16xi32>
          %and3A_382 = arith.andi %scan3A_325, %or3A_380 : vector<16xi32>
          %or3A_383 = arith.ori %scan3A_324, %or3A_375 : vector<16xi32>
          %not3A_384 = arith.constant dense<-1> : vector<16xi32>
          %not3A_385 = arith.xori %or3A_383, %not3A_384 : vector<16xi32>
          %or3A_386 = arith.ori %scan3A_326, %not3A_385 : vector<16xi32>
          %or3A_387 = arith.ori %scan3A_325, %or3A_380 : vector<16xi32>
          %not3A_388 = arith.constant dense<-1> : vector<16xi32>
          %not3A_389 = arith.xori %or3A_387, %not3A_388 : vector<16xi32>
          %or3A_390 = arith.ori %scan3A_327, %not3A_389 : vector<16xi32>
          %shift_right_logical3A_391 = arith.constant 31 : i32
          %shift_right_logical3A_392 = vector.broadcast %shift_right_logical3A_391 : i32 to vector<16xi32>
          %shift_right_logical3A_393 = arith.shrui %or3A_390, %shift_right_logical3A_392 : vector<16xi32>
          %shift_right_logical3A_394 = arith.constant 31 : i32
          %shift_right_logical3A_395 = vector.broadcast %shift_right_logical3A_394 : i32 to vector<16xi32>
          %shift_right_logical3A_396 = arith.shrui %and3A_382, %shift_right_logical3A_395 : vector<16xi32>
          %shift_left3A_397 = arith.constant 1 : i32
          %shift_left3A_398 = vector.broadcast %shift_left3A_397 : i32 to vector<16xi32>
          %shift_left3A_399 = arith.shli %or3A_386, %shift_left3A_398 : vector<16xi32>
          %or3A_400 = arith.ori %shift_left3A_399, %and3A_353 : vector<16xi32>
          %shift_left3A_401 = arith.constant 1 : i32
          %shift_left3A_402 = vector.broadcast %shift_left3A_401 : i32 to vector<16xi32>
          %shift_left3A_403 = arith.shli %and3A_381, %shift_left3A_402 : vector<16xi32>
          %or3A_404 = arith.ori %shift_left3A_403, %and3A_358 : vector<16xi32>
          %shift_right_logical3A_405 = arith.constant 31 : i32
          %shift_right_logical3A_406 = vector.broadcast %shift_right_logical3A_405 : i32 to vector<16xi32>
          %shift_right_logical3A_407 = arith.shrui %or3A_386, %shift_right_logical3A_406 : vector<16xi32>
          %shift_right_logical3A_408 = arith.constant 31 : i32
          %shift_right_logical3A_409 = vector.broadcast %shift_right_logical3A_408 : i32 to vector<16xi32>
          %shift_right_logical3A_410 = arith.shrui %and3A_381, %shift_right_logical3A_409 : vector<16xi32>
          %or3A_411 = arith.ori %or3A_400, %or3A_375 : vector<16xi32>
          %not3A_412 = arith.constant dense<-1> : vector<16xi32>
          %not3A_413 = arith.xori %or3A_411, %not3A_412 : vector<16xi32>
          %or3A_414 = arith.ori %or3A_404, %not3A_413 : vector<16xi32>
          %and3A_415 = arith.andi %or3A_400, %or3A_375 : vector<16xi32>
          %shift_left3A_416 = arith.constant 1 : i32
          %shift_left3A_417 = vector.broadcast %shift_left3A_416 : i32 to vector<16xi32>
          %shift_left3A_418 = arith.shli %or3A_390, %shift_left3A_417 : vector<16xi32>
          %or3A_419 = arith.ori %shift_left3A_418, %shift_right_logical3A_407 : vector<16xi32>
          %shift_left3A_420 = arith.constant 1 : i32
          %shift_left3A_421 = vector.broadcast %shift_left3A_420 : i32 to vector<16xi32>
          %shift_left3A_422 = arith.shli %and3A_382, %shift_left3A_421 : vector<16xi32>
          %or3A_423 = arith.ori %shift_left3A_422, %shift_right_logical3A_410 : vector<16xi32>
          %or3A_424 = arith.ori %or3A_419, %or3A_380 : vector<16xi32>
          %not3A_425 = arith.constant dense<-1> : vector<16xi32>
          %not3A_426 = arith.xori %or3A_424, %not3A_425 : vector<16xi32>
          %or3A_427 = arith.ori %or3A_423, %not3A_426 : vector<16xi32>
          %and3A_428 = arith.andi %or3A_419, %or3A_380 : vector<16xi32>
          %add3A_429 = arith.constant 32 : i32
          %add3A_430 = vector.broadcast %add3A_429 : i32 to vector<16xi32>
          %add3A_431 = arith.addi %scan3A_337, %add3A_430 : vector<16xi32>
          %gather3A_432 = tpu.vector_load_idx %arg7[%add3A_431] : memref<64000xi32, #tpu.memory_space<vmem>>[vector<16xi32>], vector<16xi32>,
          %add3A_433 = arith.constant 48 : i32
          %add3A_434 = vector.broadcast %add3A_433 : i32 to vector<16xi32>
          %add3A_435 = arith.addi %scan3A_337, %add3A_434 : vector<16xi32>
          %gather3A_436 = tpu.vector_load_idx %arg7[%add3A_435] : memref<64000xi32, #tpu.memory_space<vmem>>[vector<16xi32>], vector<16xi32>,
          %or3A_437 = arith.ori %gather3A_432, %scan3A_330 : vector<16xi32>
          %or3A_438 = arith.ori %gather3A_436, %scan3A_331 : vector<16xi32>
          %or3A_439 = arith.ori %or3A_437, %scan3A_336 : vector<16xi32>
          %and3A_440 = arith.andi %or3A_439, %scan3A_328 : vector<16xi32>
          %add3A_441 = arith.addi %scan3A_328, %and3A_440 : vector<16xi32>
          %lt3A_442 = arith.cmpi ult, %add3A_441, %scan3A_328 : vector<16xi32>
          %convert_element_type3A_443 = arith.extui %lt3A_442 : vector<16xi1> to vector<16xi32>
          %xor3A_444 = arith.xori %add3A_441, %scan3A_328 : vector<16xi32>
          %or3A_445 = arith.ori %xor3A_444, %or3A_439 : vector<16xi32>
          %and3A_446 = arith.andi %or3A_438, %scan3A_329 : vector<16xi32>
          %add3A_447 = arith.addi %scan3A_329, %and3A_446 : vector<16xi32>
          %add3A_448 = arith.addi %add3A_447, %convert_element_type3A_443 : vector<16xi32>
          %xor3A_449 = arith.xori %add3A_448, %scan3A_329 : vector<16xi32>
          %or3A_450 = arith.ori %xor3A_449, %or3A_438 : vector<16xi32>
          %and3A_451 = arith.andi %scan3A_328, %or3A_445 : vector<16xi32>
          %and3A_452 = arith.andi %scan3A_329, %or3A_450 : vector<16xi32>
          %or3A_453 = arith.ori %scan3A_328, %or3A_445 : vector<16xi32>
          %not3A_454 = arith.constant dense<-1> : vector<16xi32>
          %not3A_455 = arith.xori %or3A_453, %not3A_454 : vector<16xi32>
          %or3A_456 = arith.ori %scan3A_330, %not3A_455 : vector<16xi32>
          %or3A_457 = arith.ori %scan3A_329, %or3A_450 : vector<16xi32>
          %not3A_458 = arith.constant dense<-1> : vector<16xi32>
          %not3A_459 = arith.xori %or3A_457, %not3A_458 : vector<16xi32>
          %or3A_460 = arith.ori %scan3A_331, %not3A_459 : vector<16xi32>
          %shift_right_logical3A_461 = arith.constant 31 : i32
          %shift_right_logical3A_462 = vector.broadcast %shift_right_logical3A_461 : i32 to vector<16xi32>
          %shift_right_logical3A_463 = arith.shrui %or3A_460, %shift_right_logical3A_462 : vector<16xi32>
          %shift_right_logical3A_464 = arith.constant 31 : i32
          %shift_right_logical3A_465 = vector.broadcast %shift_right_logical3A_464 : i32 to vector<16xi32>
          %shift_right_logical3A_466 = arith.shrui %and3A_452, %shift_right_logical3A_465 : vector<16xi32>
          %shift_left3A_467 = arith.constant 1 : i32
          %shift_left3A_468 = vector.broadcast %shift_left3A_467 : i32 to vector<16xi32>
          %shift_left3A_469 = arith.shli %or3A_456, %shift_left3A_468 : vector<16xi32>
          %or3A_470 = arith.ori %shift_left3A_469, %scan3A_335 : vector<16xi32>
          %shift_left3A_471 = arith.constant 1 : i32
          %shift_left3A_472 = vector.broadcast %shift_left3A_471 : i32 to vector<16xi32>
          %shift_left3A_473 = arith.shli %and3A_451, %shift_left3A_472 : vector<16xi32>
          %or3A_474 = arith.ori %shift_left3A_473, %scan3A_336 : vector<16xi32>
          %shift_right_logical3A_475 = arith.constant 31 : i32
          %shift_right_logical3A_476 = vector.broadcast %shift_right_logical3A_475 : i32 to vector<16xi32>
          %shift_right_logical3A_477 = arith.shrui %or3A_456, %shift_right_logical3A_476 : vector<16xi32>
          %shift_right_logical3A_478 = arith.constant 31 : i32
          %shift_right_logical3A_479 = vector.broadcast %shift_right_logical3A_478 : i32 to vector<16xi32>
          %shift_right_logical3A_480 = arith.shrui %and3A_451, %shift_right_logical3A_479 : vector<16xi32>
          %or3A_481 = arith.ori %or3A_470, %or3A_445 : vector<16xi32>
          %not3A_482 = arith.constant dense<-1> : vector<16xi32>
          %not3A_483 = arith.xori %or3A_481, %not3A_482 : vector<16xi32>
          %or3A_484 = arith.ori %or3A_474, %not3A_483 : vector<16xi32>
          %and3A_485 = arith.andi %or3A_470, %or3A_445 : vector<16xi32>
          %shift_left3A_486 = arith.constant 1 : i32
          %shift_left3A_487 = vector.broadcast %shift_left3A_486 : i32 to vector<16xi32>
          %shift_left3A_488 = arith.shli %or3A_460, %shift_left3A_487 : vector<16xi32>
          %or3A_489 = arith.ori %shift_left3A_488, %shift_right_logical3A_477 : vector<16xi32>
          %shift_left3A_490 = arith.constant 1 : i32
          %shift_left3A_491 = vector.broadcast %shift_left3A_490 : i32 to vector<16xi32>
          %shift_left3A_492 = arith.shli %and3A_452, %shift_left3A_491 : vector<16xi32>
          %or3A_493 = arith.ori %shift_left3A_492, %shift_right_logical3A_480 : vector<16xi32>
          %or3A_494 = arith.ori %or3A_489, %or3A_450 : vector<16xi32>
          %not3A_495 = arith.constant dense<-1> : vector<16xi32>
          %not3A_496 = arith.xori %or3A_494, %not3A_495 : vector<16xi32>
          %or3A_497 = arith.ori %or3A_493, %not3A_496 : vector<16xi32>
          %and3A_498 = arith.andi %or3A_489, %or3A_450 : vector<16xi32>
          %add3A_499 = arith.addi %scan3A_332, %shift_right_logical3A_463 : vector<16xi32>
          %sub3A_500 = arith.subi %add3A_499, %shift_right_logical3A_466 : vector<16xi32>
          %sub3A_501 = arith.constant 1 : i32
          %sub3A_502 = arith.subi %scan3A_323, %sub3A_501 : i32
          %shift_left3A_503 = vector.broadcast %sub3A_502 : i32 to vector<16xi32>
          %shift_left3A_504 = arith.shli %shift_right_logical3A_463, %shift_left3A_503 : vector<16xi32>
          %or3A_505 = arith.ori %scan3A_333, %shift_left3A_504 : vector<16xi32>
          %sub3A_506 = arith.constant 1 : i32
          %sub3A_507 = arith.subi %scan3A_323, %sub3A_506 : i32
          %shift_left3A_508 = vector.broadcast %sub3A_507 : i32 to vector<16xi32>
          %shift_left3A_509 = arith.shli %shift_right_logical3A_466, %shift_left3A_508 : vector<16xi32>
          %or3A_510 = arith.ori %scan3A_334, %shift_left3A_509 : vector<16xi32>
          scf.yield %or3A_414, %or3A_427, %and3A_415, %and3A_428, %or3A_484, %or3A_497, %and3A_485, %and3A_498, %sub3A_500, %or3A_505, %or3A_510, %shift_right_logical3A_393, %shift_right_logical3A_396, %add3A_348 : vector<16xi32>, vector<16xi32>, vector<16xi32>, vector<16xi32>, vector<16xi32>, vector<16xi32>, vector<16xi32>, vector<16xi32>, vector<16xi32>, vector<16xi32>, vector<16xi32>, vector<16xi32>, vector<16xi32>, vector<16xi32>
        }
        %scan3A_203 = arith.constant 31 : i32
        %add3A_204 = arith.constant 32 : i32
        %add3A_205 = vector.broadcast %add3A_204 : i32 to vector<16xi32>
        %add3A_206 = arith.addi %scan3A_202#13, %add3A_205 : vector<16xi32>
        %gather3A_207 = tpu.vector_load_idx %arg7[%add3A_206] : memref<64000xi32, #tpu.memory_space<vmem>>[vector<16xi32>], vector<16xi32>,
        %add3A_208 = arith.constant 48 : i32
        %add3A_209 = vector.broadcast %add3A_208 : i32 to vector<16xi32>
        %add3A_210 = arith.addi %scan3A_202#13, %add3A_209 : vector<16xi32>
        %gather3A_211 = tpu.vector_load_idx %arg7[%add3A_210] : memref<64000xi32, #tpu.memory_space<vmem>>[vector<16xi32>], vector<16xi32>,
        %or3A_212 = arith.ori %gather3A_207, %scan3A_202#6 : vector<16xi32>
        %or3A_213 = arith.ori %gather3A_211, %scan3A_202#7 : vector<16xi32>
        %or3A_214 = arith.ori %or3A_212, %scan3A_202#12 : vector<16xi32>
        %and3A_215 = arith.andi %or3A_214, %scan3A_202#4 : vector<16xi32>
        %add3A_216 = arith.addi %scan3A_202#4, %and3A_215 : vector<16xi32>
        %lt3A_217 = arith.cmpi ult, %add3A_216, %scan3A_202#4 : vector<16xi32>
        %convert_element_type3A_218 = arith.extui %lt3A_217 : vector<16xi1> to vector<16xi32>
        %xor3A_219 = arith.xori %add3A_216, %scan3A_202#4 : vector<16xi32>
        %or3A_220 = arith.ori %xor3A_219, %or3A_214 : vector<16xi32>
        %and3A_221 = arith.andi %or3A_213, %scan3A_202#5 : vector<16xi32>
        %add3A_222 = arith.addi %scan3A_202#5, %and3A_221 : vector<16xi32>
        %add3A_223 = arith.addi %add3A_222, %convert_element_type3A_218 : vector<16xi32>
        %xor3A_224 = arith.xori %add3A_223, %scan3A_202#5 : vector<16xi32>
        %or3A_225 = arith.ori %xor3A_224, %or3A_213 : vector<16xi32>
        %and3A_226 = arith.andi %scan3A_202#4, %or3A_220 : vector<16xi32>
        %and3A_227 = arith.andi %scan3A_202#5, %or3A_225 : vector<16xi32>
        %or3A_228 = arith.ori %scan3A_202#4, %or3A_220 : vector<16xi32>
        %not3A_229 = arith.constant dense<-1> : vector<16xi32>
        %not3A_230 = arith.xori %or3A_228, %not3A_229 : vector<16xi32>
        %or3A_231 = arith.ori %scan3A_202#6, %not3A_230 : vector<16xi32>
        %or3A_232 = arith.ori %scan3A_202#5, %or3A_225 : vector<16xi32>
        %not3A_233 = arith.constant dense<-1> : vector<16xi32>
        %not3A_234 = arith.xori %or3A_232, %not3A_233 : vector<16xi32>
        %or3A_235 = arith.ori %scan3A_202#7, %not3A_234 : vector<16xi32>
        %shift_right_logical3A_236 = arith.constant 31 : i32
        %shift_right_logical3A_237 = vector.broadcast %shift_right_logical3A_236 : i32 to vector<16xi32>
        %shift_right_logical3A_238 = arith.shrui %or3A_235, %shift_right_logical3A_237 : vector<16xi32>
        %shift_right_logical3A_239 = arith.constant 31 : i32
        %shift_right_logical3A_240 = vector.broadcast %shift_right_logical3A_239 : i32 to vector<16xi32>
        %shift_right_logical3A_241 = arith.shrui %and3A_227, %shift_right_logical3A_240 : vector<16xi32>
        %shift_left3A_242 = arith.constant 1 : i32
        %shift_left3A_243 = vector.broadcast %shift_left3A_242 : i32 to vector<16xi32>
        %shift_left3A_244 = arith.shli %or3A_231, %shift_left3A_243 : vector<16xi32>
        %or3A_245 = arith.ori %shift_left3A_244, %scan3A_202#11 : vector<16xi32>
        %shift_left3A_246 = arith.constant 1 : i32
        %shift_left3A_247 = vector.broadcast %shift_left3A_246 : i32 to vector<16xi32>
        %shift_left3A_248 = arith.shli %and3A_226, %shift_left3A_247 : vector<16xi32>
        %or3A_249 = arith.ori %shift_left3A_248, %scan3A_202#12 : vector<16xi32>
        %shift_right_logical3A_250 = arith.constant 31 : i32
        %shift_right_logical3A_251 = vector.broadcast %shift_right_logical3A_250 : i32 to vector<16xi32>
        %shift_right_logical3A_252 = arith.shrui %or3A_231, %shift_right_logical3A_251 : vector<16xi32>
        %shift_right_logical3A_253 = arith.constant 31 : i32
        %shift_right_logical3A_254 = vector.broadcast %shift_right_logical3A_253 : i32 to vector<16xi32>
        %shift_right_logical3A_255 = arith.shrui %and3A_226, %shift_right_logical3A_254 : vector<16xi32>
        %or3A_256 = arith.ori %or3A_245, %or3A_220 : vector<16xi32>
        %not3A_257 = arith.constant dense<-1> : vector<16xi32>
        %not3A_258 = arith.xori %or3A_256, %not3A_257 : vector<16xi32>
        %or3A_259 = arith.ori %or3A_249, %not3A_258 : vector<16xi32>
        %and3A_260 = arith.andi %or3A_245, %or3A_220 : vector<16xi32>
        %shift_left3A_261 = arith.constant 1 : i32
        %shift_left3A_262 = vector.broadcast %shift_left3A_261 : i32 to vector<16xi32>
        %shift_left3A_263 = arith.shli %or3A_235, %shift_left3A_262 : vector<16xi32>
        %or3A_264 = arith.ori %shift_left3A_263, %shift_right_logical3A_252 : vector<16xi32>
        %shift_left3A_265 = arith.constant 1 : i32
        %shift_left3A_266 = vector.broadcast %shift_left3A_265 : i32 to vector<16xi32>
        %shift_left3A_267 = arith.shli %and3A_227, %shift_left3A_266 : vector<16xi32>
        %or3A_268 = arith.ori %shift_left3A_267, %shift_right_logical3A_255 : vector<16xi32>
        %or3A_269 = arith.ori %or3A_264, %or3A_225 : vector<16xi32>
        %not3A_270 = arith.constant dense<-1> : vector<16xi32>
        %not3A_271 = arith.xori %or3A_269, %not3A_270 : vector<16xi32>
        %or3A_272 = arith.ori %or3A_268, %not3A_271 : vector<16xi32>
        %and3A_273 = arith.andi %or3A_264, %or3A_225 : vector<16xi32>
        %add3A_274 = arith.addi %scan3A_202#8, %shift_right_logical3A_238 : vector<16xi32>
        %sub3A_275 = arith.subi %add3A_274, %shift_right_logical3A_241 : vector<16xi32>
        %shift_left3A_276 = arith.constant 31 : i32
        %shift_left3A_277 = vector.broadcast %shift_left3A_276 : i32 to vector<16xi32>
        %shift_left3A_278 = arith.shli %shift_right_logical3A_238, %shift_left3A_277 : vector<16xi32>
        %or3A_279 = arith.ori %scan3A_202#9, %shift_left3A_278 : vector<16xi32>
        %shift_left3A_280 = arith.constant 31 : i32
        %shift_left3A_281 = vector.broadcast %shift_left3A_280 : i32 to vector<16xi32>
        %shift_left3A_282 = arith.shli %shift_right_logical3A_241, %shift_left3A_281 : vector<16xi32>
        %or3A_283 = arith.ori %scan3A_202#10, %shift_left3A_282 : vector<16xi32>
        %swap3A_284 = arith.constant 0 : index
        %swap3A_285 = tpu.vector_load %arg8[%swap3A_284] {strides = array<i32>} : memref<128xi32, #tpu.memory_space<vmem>>, vector<16xi32>,
        tpu.vector_store %arg8[%swap3A_284], %scan3A_202#0 {strides = array<i32>} : memref<128xi32, #tpu.memory_space<vmem>>, vector<16xi32>,
        %swap3A_286 = arith.constant 64 : index
        %swap3A_287 = tpu.vector_load %arg8[%swap3A_286] {strides = array<i32>} : memref<128xi32, #tpu.memory_space<vmem>>, vector<16xi32>,
        tpu.vector_store %arg8[%swap3A_286], %scan3A_202#2 {strides = array<i32>} : memref<128xi32, #tpu.memory_space<vmem>>, vector<16xi32>,
        %swap3A_288 = arith.constant 16 : index
        %swap3A_289 = tpu.vector_load %arg8[%swap3A_288] {strides = array<i32>} : memref<128xi32, #tpu.memory_space<vmem>>, vector<16xi32>,
        tpu.vector_store %arg8[%swap3A_288], %scan3A_202#1 {strides = array<i32>} : memref<128xi32, #tpu.memory_space<vmem>>, vector<16xi32>,
        %swap3A_290 = arith.constant 80 : index
        %swap3A_291 = tpu.vector_load %arg8[%swap3A_290] {strides = array<i32>} : memref<128xi32, #tpu.memory_space<vmem>>, vector<16xi32>,
        tpu.vector_store %arg8[%swap3A_290], %scan3A_202#3 {strides = array<i32>} : memref<128xi32, #tpu.memory_space<vmem>>, vector<16xi32>,
        %swap3A_292 = arith.constant 32 : index
        %swap3A_293 = tpu.vector_load %arg8[%swap3A_292] {strides = array<i32>} : memref<128xi32, #tpu.memory_space<vmem>>, vector<16xi32>,
        tpu.vector_store %arg8[%swap3A_292], %or3A_259 {strides = array<i32>} : memref<128xi32, #tpu.memory_space<vmem>>, vector<16xi32>,
        %swap3A_294 = arith.constant 96 : index
        %swap3A_295 = tpu.vector_load %arg8[%swap3A_294] {strides = array<i32>} : memref<128xi32, #tpu.memory_space<vmem>>, vector<16xi32>,
        tpu.vector_store %arg8[%swap3A_294], %and3A_260 {strides = array<i32>} : memref<128xi32, #tpu.memory_space<vmem>>, vector<16xi32>,
        %swap3A_296 = arith.constant 48 : index
        %swap3A_297 = tpu.vector_load %arg8[%swap3A_296] {strides = array<i32>} : memref<128xi32, #tpu.memory_space<vmem>>, vector<16xi32>,
        tpu.vector_store %arg8[%swap3A_296], %or3A_272 {strides = array<i32>} : memref<128xi32, #tpu.memory_space<vmem>>, vector<16xi32>,
        %swap3A_298 = arith.constant 112 : index
        %swap3A_299 = tpu.vector_load %arg8[%swap3A_298] {strides = array<i32>} : memref<128xi32, #tpu.memory_space<vmem>>, vector<16xi32>,
        tpu.vector_store %arg8[%swap3A_298], %and3A_273 {strides = array<i32>} : memref<128xi32, #tpu.memory_space<vmem>>, vector<16xi32>,
        %swap3A_300 = arith.constant 0 : index
        %swap3A_301 = tpu.vector_load %arg9[%swap3A_300] {strides = array<i32>} : memref<16xi32, #tpu.memory_space<vmem>>, vector<16xi32>,
        tpu.vector_store %arg9[%swap3A_300], %sub3A_275 {strides = array<i32>} : memref<16xi32, #tpu.memory_space<vmem>>, vector<16xi32>,
        %swap3A_302 = arith.constant 0 : index
        %swap3A_303 = tpu.vector_load %arg11[%swap3A_302] {strides = array<i32>} : memref<32xi32, #tpu.memory_space<vmem>>, vector<16xi32>,
        tpu.vector_store %arg11[%swap3A_302], %or3A_279 {strides = array<i32>} : memref<32xi32, #tpu.memory_space<vmem>>, vector<16xi32>,
        %swap3A_304 = arith.constant 16 : index
        %swap3A_305 = tpu.vector_load %arg11[%swap3A_304] {strides = array<i32>} : memref<32xi32, #tpu.memory_space<vmem>>, vector<16xi32>,
        tpu.vector_store %arg11[%swap3A_304], %or3A_283 {strides = array<i32>} : memref<32xi32, #tpu.memory_space<vmem>>, vector<16xi32>,
        %jit3A = arith.constant 2 : i32
        %eq3A_306 = arith.constant 0 : i32
        %eq3A_307 = arith.cmpi eq, %jit3A, %eq3A_306 : i32
        %jit3A_308 = arith.constant 1 : i32
        %select_n3A = arith.select %eq3A_307, %jit3A_308, %jit3A : i32
        %rem3A = arith.remsi %scan3A_68, %select_n3A : i32
        %ne3A = arith.constant 0 : i32
        %ne3A_309 = arith.cmpi ne, %rem3A, %ne3A : i32
        %lt3A_310 = arith.constant 0 : i32
        %lt3A_311 = arith.cmpi slt, %rem3A, %lt3A_310 : i32
        %lt3A_312 = arith.constant 0 : i32
        %lt3A_313 = arith.cmpi slt, %select_n3A, %lt3A_312 : i32
        %ne3A_314 = arith.xori %lt3A_311, %lt3A_313 : i1
        %and3A_315 = arith.andi %ne3A_314, %ne3A_309 : i1
        %add3A_316 = arith.addi %rem3A, %select_n3A : i32
        %select_n3A_317 = arith.select %and3A_315, %add3A_316, %rem3A : i32
        %mul3A_318 = arith.constant 16 : i32
        %mul3A_319 = arith.muli %select_n3A_317, %mul3A_318 : i32
        %add3A_320 = arith.addi %mul3A_319, %arg1 : i32
        %mul3A_321 = arith.constant 32 : i32
        %mul3A_322 = arith.muli %add3A_320, %mul3A_321 : i32
        "tpu.region"() ({
          %run_scoped3A = tpu.sem_alloc : memref<!tpu.dma_semaphore, #tpu.memory_space<semaphore_mem>>
          %dma_start3A = tpu.memref_slice %arg13[%mul3A_322] : memref<1024xi32, #tpu.memory_space<vmem_shared>> -> memref<32xi32, #tpu.memory_space<vmem_shared>>
          %dma_start3A_323 = tpu.memref_slice %arg13[%mul3A_322] : memref<1024xi32, #tpu.memory_space<vmem_shared>> -> memref<32xi32, #tpu.memory_space<vmem_shared>>
          tpu.enqueue_dma source(%arg11 : memref<32xi32, #tpu.memory_space<vmem>>) target(%dma_start3A_323 : memref<32xi32, #tpu.memory_space<vmem_shared>>) target_semaphore(%run_scoped3A : memref<!tpu.dma_semaphore, #tpu.memory_space<semaphore_mem>>)
          %dma_wait3A = tpu.memref_slice %arg13[%mul3A_322] : memref<1024xi32, #tpu.memory_space<vmem_shared>> -> memref<32xi32, #tpu.memory_space<vmem_shared>>
          %dma_wait3A_324 = tpu.memref_slice %arg13[%mul3A_322] : memref<1024xi32, #tpu.memory_space<vmem_shared>> -> memref<32xi32, #tpu.memory_space<vmem_shared>>
          tpu.wait_dma2 semaphore(%run_scoped3A : memref<!tpu.dma_semaphore, #tpu.memory_space<semaphore_mem>>) src(%arg11 : memref<32xi32, #tpu.memory_space<vmem>>) dst(%dma_wait3A_324 : memref<32xi32, #tpu.memory_space<vmem_shared>>)
          tpu.yield
        }) : () -> ()
      } else {
      }
      %barrier3A = arith.constant 0 : index
      tpu.barrier barrier_id(%barrier3A)
      %scan3A_88 = arith.constant 0 : i32
      scf.yield %scan3A_88 : i32
    }
    %scan3A_63 = arith.constant 79 : i32
    %eq3A = arith.constant 0 : i32
    %eq3A_64 = arith.cmpi eq, %arg0, %eq3A : i32
    %eq3A_65 = arith.constant 15 : i32
    %eq3A_66 = arith.cmpi eq, %arg1, %eq3A_65 : i32
    %and3A = arith.andi %eq3A_64, %eq3A_66 : i1
    %convert_element_type3A = arith.extui %and3A : i1 to i32
    %cond3A = arith.constant 0 : i32
    %cond3A_67 = arith.cmpi ne, %convert_element_type3A, %cond3A : i32
    scf.if %cond3A_67 {
      %get3A = arith.constant 0 : index
      %get3A_68 = tpu.vector_load %arg9[%get3A] {strides = array<i32>} : memref<16xi32, #tpu.memory_space<vmem>>, vector<16xi32>,
      %convert_element_type3A_69 = arith.sitofp %get3A_68 : vector<16xi32> to vector<16xf32>
      %swap3A_70 = arith.constant 0 : index
      %swap3A_71 = tpu.vector_load %arg12[%swap3A_70] {strides = array<i32>} : memref<16xf32, #tpu.memory_space<vmem>>, vector<16xf32>,
      tpu.vector_store %arg12[%swap3A_70], %convert_element_type3A_69 {strides = array<i32>} : memref<16xf32, #tpu.memory_space<vmem>>, vector<16xf32>,
      "tpu.region"() ({
        %run_scoped3A = tpu.sem_alloc : memref<!tpu.dma_semaphore, #tpu.memory_space<semaphore_mem>>
        tpu.enqueue_dma source(%arg12 : memref<16xf32, #tpu.memory_space<vmem>>) target(%arg4 : memref<16xf32, #tpu.memory_space<hbm>>) target_semaphore(%run_scoped3A : memref<!tpu.dma_semaphore, #tpu.memory_space<semaphore_mem>>)
        tpu.wait_dma2 semaphore(%run_scoped3A : memref<!tpu.dma_semaphore, #tpu.memory_space<semaphore_mem>>) src(%arg12 : memref<16xf32, #tpu.memory_space<vmem>>) dst(%arg4 : memref<16xf32, #tpu.memory_space<hbm>>)
        tpu.yield
      }) : () -> ()
    } else {
    }
    return
  }
}

</mosaic_0001>

<sc_bundles>
// kernel: kernel.3.cloned.1.call-start
scs
__scs_entry_jumppad:
0x0: {  	(pc) =	sbr.rel $0x88, $3  }
0x1: {  	(tag) =	ssettag $0x0;
	lr =	simm.s32 $0x1  }
0x2: {  	[smem:$0x3F9F] =	sst lr;
	_ =	strace $0xD0000000  }
0x3: {  	_ = 	snop  }
0x4: {  	_ = 	snop  }
0x5: {  	_ = 	snop  }
0x6: {  	_ = 	snop  }
0x7: {  	_ = 	snop  }
__scs_overlays_trampoline_lowered:
0x8: {  	[smem:$0x3FAE] =	sst s0  }
0x9: {  	[smem:$0x3FAF] =	sst s1  }
0xa: {  	[smem:$0x3FB0] =	sst s2  }
0xb: {  	[smem:$0x3FB1] =	sst s3  }
0xc: {  	[smem:$0x3FB2] =	sst s4  }
0xd: {  	[smem:$0x3FB3] =	sst s5  }
0xe: {  	[smem:$0x3FB4] =	sst s6  }
0xf: {  	[smem:$0x3FB5] =	sst s7  }
0x10: {  	[smem:$0x3FB6] =	sst s8  }
0x11: {  	[smem:$0x3FB7] =	sst s9;
	s0 =	simm.s32 @!p0 $0x0  }
0x12: {  	s1 =	sld [smem:$0x3F9D];
	s0 =	simm.s32 @p0 $0x1  }
0x13: {  	[smem:$0x3FB8] =	sst s0;
	s0 =	simm.s32 @!p1 $0x0  }
0x14: {  	s2 =	sld [smem:$0x3F9C];
	s0 =	simm.s32 @p1 $0x1  }
0x15: {  	[smem:$0x3FB9] =	sst s0;
	s0 =	simm.s32 @!p2 $0x0  }
0x16: {  	s3 =	sld [smem:$0x3FDB];
	s0 =	simm.s32 @p2 $0x1  }
0x17: {  	s4 =	simm.s32 $0x1BF5;
	[smem:$0x3FBB] =	sst s0  }
0x18: {  	s0 =	sld [smem:$0x3F9E];
	_ =	swait.ge [sflag:s4], $0x0  }
0x19: {  	s7 =	sld [smem:$0x3F9F]  }
0x1a: {  	s8 =	sadd.s32 $0xFFFFE003, lr  }
0x1b: {  	s9 =	sadd.s32 $0xFFFFFEF7, lr;
	s5 =	simm.s32 $0xFFFFFFFF;
	p2 =	slt.u32 s8, $0xFFFFF086  }
0x1c: {  	p1 =	slt.u32 s9, $0xF7A;
	s5 =	simm.s32 @!p2 $0x0  }
0x1d: {  	s5 =	simm.s32 @p1 $0x1;
	p0 =	seq.s32 s7, s2  }
0x1e: {  	s7 =	smul.u32 @!p0 $0xF7A, s2;
	p2 =	seq.s32 @!p0 s5, $0x0  }
0x1f: {  	s9 =	smul.u32 $0xF7A, s1;
	s8 =	simm.s32 @!p0 $0x1BF5;
	p2 =	por !p2, p0  }
0x20: {  	[sflag:s8] =	ssyncset.s32 @!p0 $0xFFFFF086;
	s6 =	sadd.s32 @!p0 s3, s7;
	s7 =	simm.s32 @!p0 $0x108  }
0x21: {  	s3 =	sadd.s32 s3, s9;
	s6 =	sadd.s32 @!p0 $0x88, s6;
	s7 =	simm.s32 @p2 $0x1082  }
0x22: {  	[simem:s7], [sflag:s8] =	dma.local @!p0 [hbm:s6], $0xF7A  }
0x23: {  	s9 =	sor.u32 $0xD0000000, s2;
	s6 =	simm.s32 $0x108;
	_ =	swait.ge @!p0 [sflag:s8], $0x0  }
0x24: {  	s3 =	sadd.s32 $0x88, s3;
	s6 =	simm.s32 @!p1 $0x1082;
	[sflag:s4] =	ssyncset.s32 $0xFFFFF086  }
0x25: {  	[simem:s6], [sflag:s4] =	dma.local [hbm:s3], $0xF7A  }
0x26: {  	[smem:$0x3F9F] =	sst s1;
	(tag) =	ssettag s2;
	_ =	strace s9  }
0x27: {  	s1 =	sld [smem:$0x3FAF]  }
0x28: {  	s2 =	sld [smem:$0x3FB0]  }
0x29: {  	s4 =	sld [smem:$0x3FB2]  }
0x2a: {  	p0 =	seq.s32 s5, $0x0;
	s5 =	sld [smem:$0x3FB3]  }
0x2b: {  	s6 =	sld [smem:$0x3FB4]  }
0x2c: {  	s7 =	sld [smem:$0x3FB5]  }
0x2d: {  	s3 =	simm.s32 $0x108;
	s8 =	sld [smem:$0x3FB6]  }
0x2e: {  	s3 =	simm.s32 @!p0 $0x1082;
	s9 =	sld [smem:$0x3FB7]  }
0x2f: {  	lr =	sadd.s32 s0, s3;
	s0 =	sld [smem:$0x3FAE]  }
0x30: {  	s3 =	sld [smem:$0x3FB1]  }
0x31: {  	[smem:$0x3FBA] =	sst s10  }
0x32: {  	s10 =	sld [smem:$0x3FB8];
	_ =	sdelay $0x3  }
0x33: {  	p0 =	seq.s32 s10, $0x1;
	s10 =	sld [smem:$0x3FBA];
	_ =	sdelay $0x3  }
0x34: {  	[smem:$0x3FBA] =	sst s10  }
0x35: {  	s10 =	sld [smem:$0x3FB9];
	_ =	sdelay $0x3  }
0x36: {  	p1 =	seq.s32 s10, $0x1;
	s10 =	sld [smem:$0x3FBA];
	_ =	sdelay $0x3  }
0x37: {  	[smem:$0x3FBA] =	sst s10  }
0x38: {  	s10 =	sld [smem:$0x3FBB]  }
0x39: {  	_ = 	snop;
	(pc) =	sbr.ind lr, $3  }
0x3a: {  	_ = 	snop  }
0x3b: {  	_ = 	snop  }
0x3c: {  	p2 =	seq.s32 s10, $0x1;
	s10 =	sld [smem:$0x3FBA]  }
0x3d: {  	_ =	shalt  }
0x3e: {  	_ =	shalt  }
0x3f: {  	_ =	shalt  }
0x40: {  	_ =	shalt  }
0x41: {  	_ =	shalt  }
0x42: {  	_ =	shalt  }
0x43: {  	_ =	shalt  }
0x44: {  	_ =	shalt  }
0x45: {  	_ =	shalt  }
0x46: {  	_ =	shalt  }
0x47: {  	_ =	shalt  }
0x48: {  	_ =	shalt  }
0x49: {  	_ =	shalt  }
0x4a: {  	_ =	shalt  }
0x4b: {  	_ =	shalt  }
0x4c: {  	_ =	shalt  }
0x4d: {  	_ =	shalt  }
0x4e: {  	_ =	shalt  }
0x4f: {  	_ =	shalt  }
0x50: {  	_ =	shalt  }
0x51: {  	_ =	shalt  }
0x52: {  	_ =	shalt  }
0x53: {  	_ =	shalt  }
0x54: {  	_ =	shalt  }
0x55: {  	_ =	shalt  }
0x56: {  	_ =	shalt  }
0x57: {  	_ =	shalt  }
0x58: {  	_ =	shalt  }
0x59: {  	_ =	shalt  }
0x5a: {  	_ =	shalt  }
0x5b: {  	_ =	shalt  }
0x5c: {  	_ =	shalt  }
0x5d: {  	_ =	shalt  }
0x5e: {  	_ =	shalt  }
0x5f: {  	_ =	shalt  }
0x60: {  	_ =	shalt  }
0x61: {  	_ =	shalt  }
0x62: {  	_ =	shalt  }
0x63: {  	_ =	shalt  }
0x64: {  	_ =	shalt  }
0x65: {  	_ =	shalt  }
0x66: {  	_ =	shalt  }
0x67: {  	_ =	shalt  }
0x68: {  	_ =	shalt  }
0x69: {  	_ =	shalt  }
0x6a: {  	_ =	shalt  }
0x6b: {  	_ =	shalt  }
0x6c: {  	_ =	shalt  }
0x6d: {  	_ =	shalt  }
0x6e: {  	_ =	shalt  }
0x6f: {  	_ =	shalt  }
0x70: {  	_ =	shalt  }
0x71: {  	_ =	shalt  }
0x72: {  	_ =	shalt  }
0x73: {  	_ =	shalt  }
0x74: {  	_ =	shalt  }
0x75: {  	_ =	shalt  }
0x76: {  	_ =	shalt  }
0x77: {  	_ =	shalt  }
0x78: {  	_ =	shalt  }
0x79: {  	_ =	shalt  }
0x7a: {  	_ =	shalt  }
0x7b: {  	_ =	shalt  }
0x7c: {  	_ =	shalt  }
0x7d: {  	_ =	shalt  }
0x7e: {  	_ =	shalt  }
0x7f: {  	_ =	shalt  }
0x80: {  	_ =	shalt  }
0x81: {  	_ =	shalt  }
0x82: {  	_ =	shalt  }
0x83: {  	_ =	shalt  }
0x84: {  	_ =	shalt  }
0x85: {  	_ =	shalt  }
0x86: {  	_ =	shalt  }
0x87: {  	_ =	shalt  }
.Lfunc_end0:
.L_simem_size_0:
called_computation_lowered:
.L_overlay_start_0:
0x88: {  	s2 =	sld [smem:$0x3FD9]  }
0x89: {  	s3 =	sld [smem:$0x3FFE];
	_ =	sdelay $0x1  }
0x8a: {  	s1 =	srdreg.scid  }
0x8b: {  	s0 =	sand.u32 $0x1, s1  }
0x8c: {  	s17 =	sshll.u32 s0, $0xA;
	s2 =	sadd.s32 s3, s2  }
0x8d: {  	s2 =	sadd.s32 s2, s17  }
0x8e: {  	[smem:$0x3FC6] =	sst s2  }
0x8f: {  	_ = 	snop  }
0x90: {  	s2 =	sld [smem:$0x3FD0];
	(tm) =	ssettm $0x1  }
0x91: {  	s18 =	sld [smem:$0x3FFB];
	_ =	sdelay $0x3  }
0x92: {  	_ =	strace s18  }
0x93: {  	s3 =	sld [smem:$0x3FFC];
	_ =	sdelay $0x3  }
0x94: {  	_ =	strace s3  }
0x95: {  	s3 =	sld [smem:$0x3FFD];
	_ =	sdelay $0x3  }
0x96: {  	_ =	strace s3  }
0x97: {  	_ =	strace $0x8FFFFFFF  }
0x98: {  	s19 =	sld [smem:$0x3FDB];
	_ =	sdelay $0x1  }
0x99: {  	s4 =	simm.s32 $_scs_section_size  }
0x9a: {  	s5 =	simm.s32 $_size__tile_overlayer_lowered;
	s6 =	simm.s32 $_tile_overlayer_lowered  }
0x9b: {  	s22 =	simm.s32 $0x1BFF;
	s21 =	sshll.u32 s6, $0x1;
	s3 =	sadd.s32 s4, s19  }
0x9c: {  	s7 =	simm.s32 $0x0;
	s20 =	sshll.u32 s5, $0x1;
	s5 =	sadd.s32 s21, s3  }
0x9d: {  	[timem:s7], [sflag:s22] =	dma.local [hbm:s5], s20  }
0x9e: {  	_ =	swait.ge [sflag:s22], s20  }
0x9f: {  	s4 =	ssub.s32 $0x0, s20;
	[sflag:s22] =	ssyncset.done $0x0  }
0xa0: {  	[sflag:s22] =	ssyncadd.s32 s4;
	_ =	sdelay $0x1  }
0xa1: {  	s23 =	simm.s32 $0x1B8B  }
0xa2: {  	_ =	swait.ge [sflag:s23], $0x1  }
0xa3: {  	[sflag:s23] =	ssyncset.done $0x0  }
0xa4: {  	s25 =	simm.s32 $0x1B8E;
	s24 =	sld [smem:$0x3FFE];
	[sflag:s23] =	ssyncadd.s32 $0xFFFFFFFF  }
0xa5: {  	s26 =	simm.s32 $execute0_lowered;
	[smem:$0x3FD2] =	sst s25  }
0xa6: {  	s5 =	sshll.u32 s26, $0x1;
	_ =	strace $0x80000046;
	[dreg:$0x1] =	wrdreg $0xFFFFFFFF  }
0xa7: {  	s28 =	simm.s32 $_size_execute0_lowered;
	s3 =	sadd.s32 s3, s5;
	[dreg:$0x0] =	wrdreg $0x0  }
0xa8: {  	s5 =	sshll.u32 s28, $0x1;
	[dreg:$0x2] =	wrdreg s3  }
0xa9: {  	[dreg:$0x3] =	wrdreg s5  }
0xaa: {  	[dreg:$0x4] =	wrdreg $0xC0  }
0xab: {  	_ =	task [dreg:s7], $0x5FFFF  }
0xac: {  	[dreg:$0x1] =	wrdreg $0xFFFFFFFF  }
0xad: {  	[dreg:$0x0] =	wrdreg $0x60  }
0xae: {  	[dreg:$0x2] =	wrdreg s24  }
0xaf: {  	[dreg:$0x3] =	wrdreg s2  }
0xb0: {  	[dreg:$0x4] =	wrdreg $0x184800  }
0xb1: {  	[dreg:$0x5] =	wrdreg $0x9  }
0xb2: {  	_ =	task.clear_ibuf [dreg:s7], $0x6FFFF;
	_ =	strace $0x90000046  }
0xb3: {  	s29 =	simm.s32 $0x9;
	_ =	strace $0x80000048  }
0xb4: {  	_ =	swait.ge [sflag:s29], $0x1  }
0xb5: {  	[sflag:s29] =	ssyncadd.s32 $0xFFFFFFFF  }
0xb6: {  	_ =	strace $0x90000048  }
0xb7: {  	_ =	sfence  }
0xb8: {  	s30 =	sld [smem:$0x0];
	_ =	sdelay $0x2  }
0xb9: {  	s31 =	sshll.u32 s1, $0xD;
	s1 =	sshrl.u32 s1, $0x2  }
0xba: {  	s3 =	sand.u32 $0x4000, s31;
	s1 =	sadd.s32 s1, s30  }
0xbb: {  	s0 =	sor.u32 s3, s0;
	s1 =	sshll.u32 s1, $0x11  }
0xbc: {  	s0 =	sor.u32 s1, s0  }
0xbd: {  	s0 =	sadd.s32 $0x8F2B, s0  }
0xbe: {  	[sflag:s0] =	ssyncadd.remote.s32 $0x1  }
0xbf: {  	_ =	sfence.sel $0xFFFF  }
0xc0: {  	[dreg:$0x0] =	wrdreg $0xFFFFFFFF;
	(pc) =	sbr.abs _section_cstart, $3  }
0xc1: {  	[dreg:$0x1] =	wrdreg $0xFFFFFFFF  }
0xc2: {  	_ =	task.clear_ibuf [dreg:s7], $0x2FFFF;
	_ =	strace $0x9FFFFFFF  }
0xc3: {  	(tm) =	ssettm $0x7FFFFFFF  }
tec
execute0_lowered:
.L_overlay_start_1:
0x0: {  	(tag) =	ssettag $0x1  }
0x1: {  	s5 =	rddreg [dreg:$0x0]  }
0x2: {  	s1 =	rddreg [dreg:$0x1]  }
0x3: {  	s2 =	rddreg [dreg:$0x2]  }
0x4: {  	s0 =	rddreg [dreg:$0x3];
	s3 =	simm.s32 $0x0  }
0x5: {  	s4 =	stileid.u32;
	s6 =	srdreg.scid;
	s10 =	simm.s32 $0x800  }
0x6: {  	s11 =	simm.s32 $0x8800;
	s12 =	simm.s32 $0x18300;
	s13 =	simm.s32 $0x18380  }
0x7: {  	s14 =	simm.s32 $0x0;
	[smem:$0x7FF] =	sst s3;
	s7 =	sshll.u32 s4, $0x8  }
0x8: {  	s6 =	sand.u32 $0x1, s6;
	p1 =	seq.s32 s4, $0xF;
	p2 =	seq.s32 s4, $0x0  }
.Ltmp0:
0x9: {  	_ =	strace $0x80000047;
	s7 =	sadd.s32 s7, s5;
	(pc) =	sbr.rel .LBB2_1-.Ltmp0, $4  }
0xa: {  	s8 =	ssub.s32 $0x2, s6;
	p0 =	seq.s32 s6, $0x0;
	s5 =	sadd.s32 $0x1600, s5  }
0xb: {  	v0 =	vimm.s32 $0x0;
	v1 =	vlaneseq.u32;
	s9 =	sshrl.u32 s8, $0x1;
	p0 =	por !p0, !p1;
	s6 =	sadd.s32 $0x600, s7  }
0xc: {  	v2 =	vimm.s32 $0x1;
	v6 =	vimm.s32 $0xFFFFFFFF;
	v7 =	vimm.s32 $0x800;
	s7 =	sadd.s32 $0x1FFFFFF, s4;
	p1 =	sne.s32 s4, $0x0;
	s8 =	ssub.s32 s8, s9  }
0xd: {  	v3 =	vor.u32 $0x10, v1;
	v4 =	vor.u32 $0x20, v1;
	v5 =	vor.u32 $0x30, v1;
	p0 =	por !p0, !p0;
	s9 =	simm.s32 $0x1;
	s8 =	smax.u32 s8, $0x1  }
.LBB2_21:
0xe: {  	v8 =	vld @p0 [tilespmem:$0x18280];
	_ =	sdelay $0x4  }
0xf: {  	v8 =	vcvt.s32.f32 @p0 v8  }
0x10: {  	s14 =	sadd.s32 $0x1, s14  }
0x11: {  	s15 =	simm.s32 @p0 $0x0;
	s16 =	simm.s32 @p0 $0x18400;
	p3 =	sne.s32 s14, s8;
	[tilespmem:$0x18400] =	vst @p0 v8  }
0x12: {  	[hbm4b:s1+s15] =	stream.linear.scatter @p0 [tilespmem:s16], [sflag:$0x1], $0x80, $0x38;
	[tilespmem:$0x184C0] =	vst v63  }
.Ltmp1:
0x13: {  	_ = 	snop;
	(pc) =	sbr.rel @!p3 .LBB2_22-.Ltmp1, $4  }
0x14: {  	s15 =	simm.s32 @p0 $0x1  }
0x15: {  	_ =	swait.ge @p0 [sflag:s15], $0x80  }
0x16: {  	[sflag:s15] =	ssyncset.done @p0 $0x0  }
0x17: {  	[sflag:s15] =	ssyncadd.s32 @p0 $0xFFFFFF80  }
.LBB2_1:
0x18: {  	[tilespmem:s3], [sflag:$0x1] =	stream.linear.gather [hbm4b:s6+s3], $0x800, $0x38;
	[tilespmem:$0x184C0] =	vst v63  }
0x19: {  	_ =	swait.ge [sflag:s9], $0x800  }
0x1a: {  	[sflag:s9] =	ssyncset.done $0x0  }
0x1b: {  	[sflag:s9] =	ssyncadd.s32 $0xFFFFF800  }
0x1c: {  	[tilespmem:s10], [sflag:$0x1] =	stream.linear.gather [hbm4b:s5+s3], $0x8000, $0x38;
	[tilespmem:$0x184C0] =	vst v63  }
0x1d: {  	_ =	swait.ge [sflag:s9], $0x8000  }
0x1e: {  	[sflag:s9] =	ssyncset.done $0x0  }
0x1f: {  	s15 =	simm.s32 $0x8840;
	[sflag:s9] =	ssyncadd.s32 $0xFFFF8000  }
0x20: {  	[tilespmem:s15+$0xFFFFFFC0] =	vst v0  }
0x21: {  	[tilespmem:s15+$0x30] =	vst v0  }
0x22: {  	[tilespmem:s15+$0x20] =	vst v0  }
0x23: {  	[tilespmem:s15+$0x10] =	vst v0  }
0x24: {  	[tilespmem:s15+$0x0] =	vst v0  }
0x25: {  	[tilespmem:s15+$0xFFFFFFF0] =	vst v0  }
0x26: {  	s16 =	simm.s32 $0x0;
	[tilespmem:s15+$0xFFFFFFE0] =	vst v0  }
.LBB2_2:
0x27: {  	s16 =	sadd.s32 $0x8, s16;
	[tilespmem:s15+$0xFFFFFFD0] =	vst v0;
	s15 =	sadd.s32 $0x80, s15  }
0x28: {  	[tilespmem:s15+$0xFFFFFFC0] =	vst v0;
	p3 =	slt.u32 s16, $0xF98  }
0x29: {  	[tilespmem:s15+$0x30] =	vst v0  }
.Ltmp2:
0x2a: {  	[tilespmem:s15+$0x20] =	vst v0;
	(pc) =	sbr.rel @p3 .LBB2_2-.Ltmp2, $4  }
0x2b: {  	[tilespmem:s15+$0x10] =	vst v0  }
0x2c: {  	[tilespmem:s15+$0x0] =	vst v0  }
0x2d: {  	[tilespmem:s15+$0xFFFFFFF0] =	vst v0  }
0x2e: {  	[tilespmem:s15+$0xFFFFFFE0] =	vst v0  }
0x2f: {  	[tilespmem:s15+$0xFFFFFFD0] =	vst v0;
	s15 =	simm.s32 $0x0  }
0x30: {  	s17 =	simm.s32 $0x1;
	s16 =	simm.s32 $0x0;
	s18 =	simm.s32 $0x0;
	v8 =	vld [tilespmem:s15+$0x0]  }
.LBB2_4:
0x31: {  	p3 =	sne.s32 s17, $0x1F;
	_ =	sdelay $0x3  }
0x32: {  	v8 =	vshll.u32 v8, $0x6  }
0x33: {  	v8 =	vor.u32 v1, v8;
	_ =	sdelay $0x4  }
0x34: {  	v9 =	vld.idx.msk [tilespmem:v8+s11+$0x0], $0xffff;
	_ =	sdelay $0x2  }
0x35: {  	v10 =	vshll.u32 v2, s16;
	s16 =	smov.u32 s17  }
.Ltmp3:
0x36: {  	v10 =	vbroadcast v10, $0x0;
	(pc) =	sbr.rel @p3 .LBB2_4-.Ltmp3, $4  }
0x37: {  	_ = 	snop  }
0x38: {  	v9 =	vor.u32 v10, v9  }
0x39: {  	s18 =	sadd.s32 $0x10, s18;
	[tilespmem:v8+s11+$0x0] =	vst.idx.msk $0xffff, v9  }
0x3a: {  	s17 =	sadd.s32 $0x1, s17;
	v8 =	vld [tilespmem:s18+$0x0]  }
0x3b: {  	_ =	sdelay $0x3  }
0x3c: {  	v8 =	vshll.u32 v8, $0x6  }
0x3d: {  	v8 =	vor.u32 v1, v8;
	_ =	sdelay $0x4  }
0x3e: {  	v9 =	vld.idx.msk [tilespmem:v8+s11+$0x0], $0xffff;
	_ =	sdelay $0x1  }
0x3f: {  	v10 =	vshll.u32 v2, s16  }
0x40: {  	v10 =	vbroadcast v10, $0x0;
	_ =	sdelay $0x1  }
0x41: {  	v9 =	vor.u32 v10, v9  }
0x42: {  	s18 =	sand.u32 $0x1F0, s15;
	s16 =	simm.s32 $0x1;
	s17 =	simm.s32 $0x0;
	[tilespmem:v8+s11+$0x0] =	vst.idx.msk $0xffff, v9  }
.LBB2_6:
0x43: {  	p3 =	sne.s32 s16, $0x1F;
	v8 =	vld [tilespmem:s18+$0x200];
	_ =	sdelay $0x4  }
0x44: {  	v8 =	vshll.u32 v8, $0x6  }
0x45: {  	v8 =	vor.u32 v3, v8;
	_ =	sdelay $0x4  }
0x46: {  	v9 =	vld.idx.msk [tilespmem:v8+s11+$0x0], $0xffff;
	_ =	sdelay $0x2  }
.Ltmp4:
0x47: {  	v10 =	vshll.u32 v2, s15;
	s15 =	smov.u32 s16;
	(pc) =	sbr.rel @p3 .LBB2_6-.Ltmp4, $3  }
0x48: {  	v10 =	vbroadcast v10, $0x0;
	_ =	sdelay $0x1  }
0x49: {  	s17 =	sadd.s32 $0x10, s17;
	v9 =	vor.u32 v10, v9  }
0x4a: {  	s16 =	sadd.s32 $0x1, s16;
	s18 =	sand.u32 $0x1F0, s17;
	[tilespmem:v8+s11+$0x0] =	vst.idx.msk $0xffff, v9  }
0x4b: {  	v8 =	vld [tilespmem:s18+$0x200];
	_ =	sdelay $0x4  }
0x4c: {  	v8 =	vshll.u32 v8, $0x6  }
0x4d: {  	v8 =	vor.u32 v3, v8;
	_ =	sdelay $0x4  }
0x4e: {  	v9 =	vld.idx.msk [tilespmem:v8+s11+$0x0], $0xffff;
	_ =	sdelay $0x1  }
0x4f: {  	v10 =	vshll.u32 v2, s15  }
0x50: {  	v10 =	vbroadcast v10, $0x0;
	_ =	sdelay $0x1  }
0x51: {  	s15 =	simm.s32 $0x0;
	s17 =	simm.s32 $0x1;
	v9 =	vor.u32 v10, v9  }
0x52: {  	s16 =	simm.s32 $0x0;
	s18 =	simm.s32 $0x0;
	s19 =	sand.u32 $0x1F0, s15;
	[tilespmem:v8+s11+$0x0] =	vst.idx.msk $0xffff, v9  }
.LBB2_8:
0x53: {  	p3 =	sne.s32 s17, $0x1F;
	v8 =	vld [tilespmem:s19+$0x400];
	_ =	sdelay $0x4  }
0x54: {  	v8 =	vshll.u32 v8, $0x6  }
0x55: {  	v8 =	vor.u32 v4, v8;
	_ =	sdelay $0x4  }
0x56: {  	v9 =	vld.idx.msk [tilespmem:v8+s11+$0x0], $0xffff;
	_ =	sdelay $0x2  }
.Ltmp5:
0x57: {  	v10 =	vshll.u32 v2, s16;
	s16 =	smov.u32 s17;
	(pc) =	sbr.rel @p3 .LBB2_8-.Ltmp5, $3  }
0x58: {  	v10 =	vbroadcast v10, $0x0;
	_ =	sdelay $0x1  }
0x59: {  	s18 =	sadd.s32 $0x10, s18;
	v9 =	vor.u32 v10, v9  }
0x5a: {  	s17 =	sadd.s32 $0x1, s17;
	s19 =	sand.u32 $0x1F0, s18;
	[tilespmem:v8+s11+$0x0] =	vst.idx.msk $0xffff, v9  }
0x5b: {  	v8 =	vld [tilespmem:s19+$0x400];
	_ =	sdelay $0x4  }
0x5c: {  	v8 =	vshll.u32 v8, $0x6  }
0x5d: {  	v8 =	vor.u32 v4, v8;
	_ =	sdelay $0x4  }
0x5e: {  	v9 =	vld.idx.msk [tilespmem:v8+s11+$0x0], $0xffff;
	_ =	sdelay $0x1  }
0x5f: {  	v10 =	vshll.u32 v2, s16  }
0x60: {  	v10 =	vbroadcast v10, $0x0;
	_ =	sdelay $0x1  }
0x61: {  	v9 =	vor.u32 v10, v9  }
0x62: {  	s18 =	sand.u32 $0x1F0, s15;
	s16 =	simm.s32 $0x1;
	s17 =	simm.s32 $0x0;
	[tilespmem:v8+s11+$0x0] =	vst.idx.msk $0xffff, v9  }
.LBB2_10:
0x63: {  	p3 =	sne.s32 s16, $0x1F;
	v8 =	vld [tilespmem:s18+$0x600];
	_ =	sdelay $0x4  }
0x64: {  	v8 =	vshll.u32 v8, $0x6  }
0x65: {  	v8 =	vor.u32 v5, v8;
	_ =	sdelay $0x4  }
0x66: {  	v9 =	vld.idx.msk [tilespmem:v8+s11+$0x0], $0xffff;
	_ =	sdelay $0x2  }
.Ltmp6:
0x67: {  	v10 =	vshll.u32 v2, s15;
	s15 =	smov.u32 s16;
	(pc) =	sbr.rel @p3 .LBB2_10-.Ltmp6, $3  }
0x68: {  	v10 =	vbroadcast v10, $0x0;
	_ =	sdelay $0x1  }
0x69: {  	s17 =	sadd.s32 $0x10, s17;
	v9 =	vor.u32 v10, v9  }
0x6a: {  	s16 =	sadd.s32 $0x1, s16;
	s18 =	sand.u32 $0x1F0, s17;
	[tilespmem:v8+s11+$0x0] =	vst.idx.msk $0xffff, v9  }
0x6b: {  	v8 =	vld [tilespmem:s18+$0x600];
	_ =	sdelay $0x4  }
0x6c: {  	v8 =	vshll.u32 v8, $0x6  }
0x6d: {  	v8 =	vor.u32 v5, v8;
	_ =	sdelay $0x4  }
0x6e: {  	v9 =	vld.idx.msk [tilespmem:v8+s11+$0x0], $0xffff;
	_ =	sdelay $0x1  }
0x6f: {  	v10 =	vshll.u32 v2, s15  }
0x70: {  	v10 =	vbroadcast v10, $0x0;
	_ =	sdelay $0x1  }
0x71: {  	v9 =	vor.u32 v10, v9  }
0x72: {  	[tilespmem:v8+s11+$0x0] =	vst.idx.msk $0xffff, v9  }
0x73: {  	[tilespmem:$0x18200] =	vst v6  }
0x74: {  	[tilespmem:$0x18240] =	vst v0  }
0x75: {  	[tilespmem:$0x18210] =	vst v6  }
0x76: {  	[tilespmem:$0x18250] =	vst v0  }
0x77: {  	[tilespmem:$0x18220] =	vst v6  }
0x78: {  	[tilespmem:$0x18260] =	vst v0  }
0x79: {  	[tilespmem:$0x18230] =	vst v6  }
0x7a: {  	[tilespmem:$0x18270] =	vst v0  }
0x7b: {  	s15 =	simm.s32 $0x0;
	[tilespmem:$0x18280] =	vst v7  }
.LBB2_12:
0x7c: {  	s16 =	ssub.s32 s15, s4  }
0x7d: {  	p3 =	sgt.u32 @!p2 s16, $0x3F  }
0x7e: {  	p3 =	por p2, p3  }
.Ltmp7:
0x7f: {  	_ = 	snop;
	(pc) =	sbr.rel @p3 .LBB2_14-.Ltmp7, $1  }
0x80: {  	_ =	sdelay $0x3  }
0x81: {  	s17 =	sxor.u32 $0xFFFFFFFF, s15  }
0x82: {  	s17 =	sshll.u32 s17, $0x4  }
0x83: {  	s17 =	sand.u32 $0x10, s17  }
0x84: {  	s17 =	sadd.s32 s17, s7  }
0x85: {  	s17 =	sshll.u32 s17, $0x7  }
0x86: {  	s17 =	sshra.s32 s17, $0x2  }
.Ltmp8:
0x87: {  	s17 =	sadd.s32 s17, s2;
	(pc) =	sbr.rel .LBB2_17-.Ltmp8, $4  }
0x88: {  	[tilespmem:s12], [sflag:$0x1] =	stream.linear.gather [spmem:s17], $0x20, $0x38;
	[tilespmem:$0x184C0] =	vst v63  }
0x89: {  	_ =	swait.ge [sflag:s9], $0x20  }
0x8a: {  	[sflag:s9] =	ssyncset.done $0x0  }
0x8b: {  	[sflag:s9] =	ssyncadd.s32 $0xFFFFFFE0  }
.LBB2_14:
0x8c: {  	p3 =	sgt.u32 @!p1 s16, $0x3F  }
0x8d: {  	p3 =	por p1, p3  }
.Ltmp9:
0x8e: {  	_ = 	snop;
	(pc) =	sbr.rel @p3 .LBB2_16-.Ltmp9, $1  }
0x8f: {  	_ =	sdelay $0x3  }
0x90: {  	[tilespmem:$0x18300] =	vst v6  }
0x91: {  	[tilespmem:$0x18310] =	vst v0  }
.LBB2_17:
0x92: {  	s16 =	sshll.u32 s16, $0x9  }
0x93: {  	s16 =	sand.u32 $0x3FFFFE00, s16  }
0x94: {  	v8 =	vld [tilespmem:s16+$0x800];
	_ =	sdelay $0x4  }
0x95: {  	v9 =	vshll.u32 v8, $0x6  }
0x96: {  	v12 =	vor.u32 v1, v9;
	_ =	sdelay $0x2  }
0x97: {  	v11 =	vld [tilespmem:$0x18240];
	v9 =	vor.u32 v3, v9  }
0x98: {  	v8 =	vld [tilespmem:$0x18310]  }
0x99: {  	v10 =	vld.idx.msk [tilespmem:v12+s11+$0x0], $0xffff  }
0x9a: {  	s17 =	simm.s32 $0x10;
	v14 =	vld [tilespmem:$0x18200]  }
0x9b: {  	v15 =	vld [tilespmem:$0x18250];
	s18 =	sand.u32 $0x180, s17;
	s16 =	sadd.s32 $0x800, s16  }
0x9c: {  	s17 =	sand.u32 $0x70, s17;
	s18 =	sadd.s32 s18, s16;
	v13 =	vld.idx.msk [tilespmem:v9+s11+$0x0], $0xffff  }
0x9d: {  	v17 =	vld [tilespmem:$0x18210];
	s17 =	sadd.s32 s17, s18;
	v16 =	vand.u32 $0x1, v8  }
0x9e: {  	v9 =	vor.u32 v10, v16;
	v10 =	vld [tilespmem:s17+$0x0]  }
0x9f: {  	v18 =	vor.u32 v11, v9  }
0xa0: {  	v9 =	vand.u32 v14, v18  }
0xa1: {  	v20 =	vor.u32 v15, v13;
	v19 =	vadd.s32 v14, v9  }
0xa2: {  	v9 =	vld [tilespmem:$0x18300];
	v13 =	vxor.u32 v14, v19;
	vm0 =	vlt.u32 v19, v14;
	v19 =	vand.u32 v17, v20  }
0xa3: {  	v18 =	vor.u32 v18, v13;
	v10 =	vshll.u32 v10, $0x6;
	v22 =	vsel vm0, $0x1, v0  }
0xa4: {  	v19 =	vadd.s32 v17, v19;
	v21 =	vor.u32 v14, v18;
	v13 =	vor.u32 v1, v10  }
0xa5: {  	v19 =	vadd.s32 v22, v19;
	v21 =	vxor.u32 $0xFFFFFFFF, v21  }
0xa6: {  	v14 =	vand.u32 v14, v18;
	v25 =	vor.u32 v3, v10;
	v11 =	vor.u32 v21, v11  }
0xa7: {  	v19 =	vxor.u32 v17, v19;
	v21 =	vand.u32 $0x1, v9;
	v22 =	vshll.u32 v11, $0x1  }
0xa8: {  	v24 =	vshll.u32 v14, $0x1;
	v19 =	vor.u32 v20, v19;
	v20 =	vor.u32 v21, v22  }
0xa9: {  	s28 =	simm.s32 $0x20;
	v21 =	vand.u32 v17, v19;
	v17 =	vor.u32 v17, v19;
	v22 =	vor.u32 v18, v20;
	v23 =	vld.idx.msk [tilespmem:v13+s11+$0x0], $0xffff  }
0xaa: {  	s29 =	sand.u32 $0x180, s28;
	v14 =	vshrl.u32 v14, $0x1;
	v17 =	vxor.u32 $0xFFFFFFFF, v17;
	v22 =	vxor.u32 $0xFFFFFFFF, v22  }
0xab: {  	s18 =	sadd.s32 s29, s16;
	s17 =	sand.u32 $0x70, s28;
	v11 =	vshrl.u32 v11, $0x1;
	v15 =	vor.u32 v17, v15;
	v17 =	vor.u32 v22, v24  }
0xac: {  	s19 =	simm.s32 $0x1;
	s17 =	sadd.s32 s17, s18;
	v11 =	vshrl.u32 v11, $0x1E;
	v16 =	vor.u32 v16, v17;
	v17 =	vshll.u32 v15, $0x1  }
0xad: {  	v18 =	vand.u32 v18, v20;
	v22 =	vld [tilespmem:s17+$0x0];
	v11 =	vor.u32 v11, v17;
	v17 =	vshrl.u32 v8, s19  }
0xae: {  	v14 =	vshrl.u32 v14, $0x1E;
	v17 =	vand.u32 $0x1, v17;
	v20 =	vor.u32 v23, v18  }
0xaf: {  	v26 =	vshrl.u32 v15, $0x1F;
	v15 =	vld.idx.msk [tilespmem:v25+s11+$0x0], $0xffff;
	v25 =	vshrl.u32 v9, s19;
	v20 =	vor.u32 v17, v20  }
0xb0: {  	v23 =	vshll.u32 v21, $0x1;
	v24 =	vor.u32 v19, v11;
	v10 =	vand.u32 v16, v20  }
0xb1: {  	v14 =	vor.u32 v14, v23;
	v23 =	vxor.u32 $0xFFFFFFFF, v24;
	v24 =	vadd.s32 v16, v10  }
0xb2: {  	v19 =	vand.u32 v19, v11;
	v22 =	vshll.u32 v22, $0x6;
	v10 =	vxor.u32 v16, v24  }
0xb3: {  	v14 =	vor.u32 v23, v14;
	v23 =	vor.u32 v20, v10;
	v10 =	vor.u32 v1, v22  }
0xb4: {  	v11 =	vimm.s32 $0x0;
	v20 =	vshrl.u32 v21, $0x1F;
	v21 =	vor.u32 v16, v23  }
0xb5: {  	v15 =	vor.u32 v19, v15;
	vm12 =	vlt.u32 v24, v16;
	v21 =	vxor.u32 $0xFFFFFFFF, v21  }
0xb6: {  	v24 =	vsel vm12, $0x1, v0;
	v22 =	vor.u32 v3, v22;
	v18 =	vor.u32 v21, v18  }
0xb7: {  	v16 =	vand.u32 v16, v23;
	v21 =	vand.u32 $0x1, v25;
	v25 =	vshll.u32 v18, $0x1  }
0xb8: {  	v18 =	vshrl.u32 v18, $0x1;
	v21 =	vor.u32 v21, v25;
	v25 =	vshrl.u32 v16, $0x1;
	v28 =	vld.idx.msk [tilespmem:v10+s11+$0x0], $0xffff  }
0xb9: {  	v27 =	vor.u32 v23, v21;
	v21 =	vand.u32 v23, v21;
	v23 =	vand.u32 v14, v15  }
0xba: {  	v16 =	vshll.u32 v16, $0x1;
	v27 =	vxor.u32 $0xFFFFFFFF, v27;
	v23 =	vadd.s32 v14, v23  }
0xbb: {  	s18 =	simm.s32 $0x2;
	v18 =	vshrl.u32 v18, $0x1E;
	v16 =	vor.u32 v27, v16;
	v23 =	vadd.s32 v24, v23  }
0xbc: {  	v24 =	vshrl.u32 v8, s18;
	v16 =	vor.u32 v17, v16;
	v17 =	vadd.s32 $0x30, v12  }
0xbd: {  	v23 =	vxor.u32 v14, v23;
	v24 =	vand.u32 $0x1, v24;
	v27 =	vor.u32 v28, v21  }
0xbe: {  	v12 =	vadd.s32 $0x20, v12;
	v15 =	vor.u32 v15, v23;
	v23 =	vor.u32 v24, v27  }
0xbf: {  	v25 =	vshrl.u32 v25, $0x1E;
	v28 =	vor.u32 v14, v15;
	v29 =	vand.u32 v16, v23  }
0xc0: {  	v30 =	vld [tilespmem:$0x18260];
	v27 =	vshrl.u32 v9, s18;
	v28 =	vxor.u32 $0xFFFFFFFF, v28;
	v29 =	vadd.s32 v16, v29  }
0xc1: {  	v36 =	vld [tilespmem:$0x18270];
	v14 =	vand.u32 v14, v15;
	v19 =	vor.u32 v28, v19;
	v28 =	vxor.u32 v16, v29  }
0xc2: {  	v22 =	vld.idx.msk [tilespmem:v22+s11+$0x0], $0xffff;
	v27 =	vand.u32 $0x1, v27;
	v31 =	vshll.u32 v14, $0x1;
	v23 =	vor.u32 v23, v28  }
0xc3: {  	v25 =	vor.u32 v25, v31;
	v12 =	vld.idx.msk [tilespmem:v12+s11+$0x0], $0xffff;
	v28 =	vshll.u32 v19, $0x1;
	v31 =	vor.u32 v16, v23  }
0xc4: {  	vm13 =	vlt.u32 v29, v16;
	v17 =	vld.idx.msk [tilespmem:v17+s11+$0x0], $0xffff;
	v18 =	vor.u32 v18, v28;
	v28 =	vxor.u32 $0xFFFFFFFF, v31  }
0xc5: {  	v29 =	vsel vm13, $0x1, v0;
	v16 =	vand.u32 v16, v23;
	v21 =	vor.u32 v28, v21  }
0xc6: {  	v32 =	vld [tilespmem:$0x18220];
	v31 =	vshrl.u32 v16, $0x1;
	v33 =	vand.u32 v15, v18;
	v28 =	vshll.u32 v21, $0x1  }
0xc7: {  	s30 =	simm.s32 $0x30;
	v16 =	vshll.u32 v16, $0x1;
	v22 =	vor.u32 v33, v22;
	v27 =	vor.u32 v27, v28  }
0xc8: {  	s31 =	sand.u32 $0x180, s30;
	v21 =	vshrl.u32 v21, $0x1;
	v12 =	vor.u32 v12, v30;
	v28 =	vor.u32 v23, v27  }
0xc9: {  	s17 =	sand.u32 $0x70, s30;
	s19 =	sadd.s32 s31, s16;
	v17 =	vor.u32 v36, v17;
	v23 =	vand.u32 v23, v27;
	v27 =	vxor.u32 $0xFFFFFFFF, v28  }
0xca: {  	s17 =	sadd.s32 s17, s19;
	v21 =	vshrl.u32 v21, $0x1E;
	v28 =	vor.u32 v20, v12;
	v12 =	vor.u32 v27, v16  }
0xcb: {  	v16 =	vand.u32 v32, v28;
	v35 =	vor.u32 v24, v12;
	v12 =	vor.u32 v15, v18;
	v18 =	vld [tilespmem:s17+$0x0]  }
0xcc: {  	v16 =	vadd.s32 v32, v16;
	v15 =	vshrl.u32 v19, $0x1F;
	v24 =	vxor.u32 $0xFFFFFFFF, v12  }
0xcd: {  	v12 =	vshrl.u32 v14, $0x1F;
	v14 =	vxor.u32 v32, v16;
	vm14 =	vlt.u32 v16, v32  }
0xce: {  	v16 =	vadd.s32 $0x30, v13;
	v13 =	vadd.s32 $0x20, v13;
	v14 =	vor.u32 v28, v14  }
0xcf: {  	v24 =	vor.u32 v24, v25;
	v19 =	vand.u32 v32, v14;
	v25 =	vor.u32 v32, v14  }
0xd0: {  	v34 =	vand.u32 v24, v22;
	v25 =	vxor.u32 $0xFFFFFFFF, v25;
	v27 =	vshll.u32 v18, $0x6  }
0xd1: {  	s17 =	simm.s32 $0x3;
	v52 =	vshrl.u32 v19, $0x1;
	v25 =	vor.u32 v25, v30;
	v18 =	vor.u32 v1, v27  }
0xd2: {  	v30 =	vld [tilespmem:$0x18230];
	v37 =	vor.u32 v3, v27;
	v28 =	vshrl.u32 v25, $0x1;
	v27 =	vshrl.u32 v9, s17  }
0xd3: {  	v25 =	vshll.u32 v25, $0x1;
	v57 =	vld.idx.msk [tilespmem:v13+s11+$0x0], $0xffff;
	v38 =	vand.u32 $0x1, v27;
	v27 =	vadd.s32 v24, v34  }
0xd4: {  	v39 =	vshll.u32 v19, $0x1;
	v25 =	vor.u32 v26, v25;
	v27 =	vadd.s32 v29, v27  }
0xd5: {  	v41 =	vshrl.u32 v28, $0x1E;
	v40 =	vor.u32 v14, v25;
	v26 =	vxor.u32 v24, v27  }
0xd6: {  	v19 =	vand.u32 v14, v25;
	v14 =	vsel vm14, $0x1, v0;
	v27 =	vor.u32 v22, v26  }
0xd7: {  	v60 =	vxor.u32 $0xFFFFFFFF, v40;
	v22 =	vand.u32 v30, v17;
	v26 =	vld.idx.msk [tilespmem:v18+s11+$0x0], $0xffff;
	v25 =	vand.u32 v24, v27  }
0xd8: {  	v24 =	vor.u32 v24, v27;
	v22 =	vadd.s32 v30, v22;
	v63 =	vor.u32 v57, v19  }
0xd9: {  	v24 =	vxor.u32 $0xFFFFFFFF, v24;
	v14 =	vadd.s32 v14, v22;
	v22 =	vshrl.u32 v52, $0x1E  }
0xda: {  	v29 =	vshll.u32 v25, $0x1;
	v28 =	vor.u32 v24, v33;
	v14 =	vxor.u32 v30, v14  }
0xdb: {  	v53 =	vshll.u32 v28, $0x1;
	v24 =	vor.u32 v17, v14;
	v17 =	vshrl.u32 v8, s17  }
0xdc: {  	v14 =	vld [tilespmem:$0x18280];
	v54 =	vand.u32 v30, v24;
	v42 =	vand.u32 $0x1, v17;
	v17 =	vor.u32 v26, v23  }
0xdd: {  	v30 =	vor.u32 v30, v24;
	v34 =	vor.u32 v21, v53;
	v17 =	vor.u32 v42, v17  }
0xde: {  	v43 =	vshll.u32 v54, $0x1;
	v26 =	vshrl.u32 v31, $0x1E;
	v55 =	vand.u32 v35, v17  }
0xdf: {  	s21 =	simm.s32 $0x0;
	v31 =	vshrl.u32 v54, $0x1F;
	v29 =	vor.u32 v26, v29;
	v56 =	vadd.s32 v35, v55  }
0xe0: {  	v26 =	vshra.s32 v54, $0x1F;
	v21 =	vshll.u32 v31, s21;
	v31 =	vxor.u32 v35, v56  }
0xe1: {  	v33 =	vor.u32 v22, v43;
	v32 =	vadd.s32 v14, v26;
	v14 =	vor.u32 v17, v31  }
0xe2: {  	v22 =	vxor.u32 $0xFFFFFFFF, v30;
	v17 =	vor.u32 v11, v21;
	v21 =	vor.u32 v35, v14  }
0xe3: {  	v30 =	vld.idx.msk [tilespmem:v37+s11+$0x0], $0xffff;
	v37 =	vor.u32 v22, v36;
	vm15 =	vlt.u32 v56, v35;
	v13 =	vxor.u32 $0xFFFFFFFF, v21  }
0xe4: {  	v58 =	vshll.u32 v37, $0x1;
	v26 =	vsel vm15, $0x1, v0;
	v13 =	vor.u32 v13, v23  }
0xe5: {  	v31 =	vand.u32 v35, v14;
	v35 =	vor.u32 v41, v58;
	v22 =	vshll.u32 v13, $0x1  }
0xe6: {  	v21 =	vshrl.u32 v31, $0x1;
	v13 =	vshrl.u32 v13, $0x1;
	v59 =	vor.u32 v38, v22  }
0xe7: {  	v23 =	vand.u32 v27, v34;
	v22 =	vshrl.u32 v13, $0x1E;
	v61 =	vor.u32 v14, v59  }
0xe8: {  	v13 =	vand.u32 v14, v59;
	v14 =	vshll.u32 v31, $0x1;
	v62 =	vxor.u32 $0xFFFFFFFF, v61  }
0xe9: {  	v31 =	vor.u32 v23, v30;
	v30 =	vor.u32 v60, v39;
	v14 =	vor.u32 v62, v14  }
0xea: {  	s20 =	simm.s32 $0x40;
	s19 =	simm.s32 $0x4;
	v38 =	vor.u32 v12, v63;
	v36 =	vor.u32 v20, v30;
	v14 =	vor.u32 v42, v14  }
.LBB2_18:
0xeb: {  	s23 =	sand.u32 $0x180, s20  }
0xec: {  	p3 =	sne.s32 s19, $0x1F;
	v20 =	vor.u32 v27, v34;
	v27 =	vand.u32 v36, v38;
	v34 =	vshrl.u32 v37, $0x1F;
	s22 =	smov.u32 s19;
	s19 =	sadd.s32 $0x1, s19  }
0xed: {  	s24 =	sand.u32 $0x70, s20;
	s23 =	sadd.s32 s23, s16;
	v20 =	vxor.u32 $0xFFFFFFFF, v20;
	v27 =	vadd.s32 v36, v27;
	v37 =	vshll.u32 v34, s21  }
0xee: {  	v30 =	vshrl.u32 v25, $0x1F;
	v25 =	vshrl.u32 v28, $0x1F;
	s21 =	sadd.s32 s24, s23;
	v11 =	vor.u32 v11, v37  }
0xef: {  	v32 =	vadd.s32 v34, v32;
	vm0 =	vlt.u32 v27, v36;
	v37 =	vor.u32 v24, v35;
	v28 =	vld [tilespmem:s21+$0x0]  }
0xf0: {  	v29 =	vor.u32 v20, v29;
	v20 =	vxor.u32 v36, v27;
	v27 =	vxor.u32 $0xFFFFFFFF, v37  }
0xf1: {  	v35 =	vand.u32 v24, v35;
	v37 =	vor.u32 v38, v20;
	v33 =	vor.u32 v27, v33;
	v34 =	vld.idx.msk [tilespmem:v16+s11+$0x0], $0xffff  }
0xf2: {  	v24 =	vand.u32 v36, v37;
	v20 =	vor.u32 v36, v37  }
0xf3: {  	v16 =	vadd.s32 $0x30, v10;
	v27 =	vxor.u32 $0xFFFFFFFF, v20;
	v36 =	vshrl.u32 v24, $0x1  }
0xf4: {  	v19 =	vor.u32 v27, v19;
	v20 =	vshll.u32 v28, $0x6;
	v28 =	vadd.s32 $0x20, v10;
	v10 =	vmovc v18  }
0xf5: {  	v39 =	vshrl.u32 v19, $0x1;
	v18 =	vor.u32 v1, v20;
	v38 =	vor.u32 v3, v20  }
0xf6: {  	v40 =	vand.u32 v29, v31;
	v27 =	vshrl.u32 v9, s22;
	v19 =	vshll.u32 v19, $0x1  }
0xf7: {  	v41 =	vand.u32 $0x1, v27;
	v27 =	vadd.s32 v29, v40;
	v34 =	vor.u32 v35, v34  }
0xf8: {  	v40 =	vshll.u32 v24, $0x1;
	v26 =	vadd.s32 v26, v27;
	v19 =	vor.u32 v15, v19;
	v15 =	vmovc v25  }
0xf9: {  	v24 =	vxor.u32 v29, v26;
	v43 =	vor.u32 v37, v19;
	v19 =	vand.u32 v37, v19;
	v42 =	vld.idx.msk [tilespmem:v28+s11+$0x0], $0xffff  }
0xfa: {  	v27 =	vor.u32 v31, v24;
	v24 =	vsel vm0, $0x1, v0;
	v28 =	vand.u32 v33, v34;
	v26 =	vld.idx.msk [tilespmem:v18+s11+$0x0], $0xffff  }
0xfb: {  	v25 =	vand.u32 v29, v27;
	v29 =	vor.u32 v29, v27;
	v28 =	vadd.s32 v33, v28  }
0xfc: {  	v31 =	vshrl.u32 v39, $0x1E;
	v29 =	vxor.u32 $0xFFFFFFFF, v29;
	v24 =	vadd.s32 v24, v28  }
0xfd: {  	v36 =	vshrl.u32 v36, $0x1E;
	v28 =	vor.u32 v29, v23;
	v23 =	vxor.u32 v33, v24;
	v38 =	vld.idx.msk [tilespmem:v38+s11+$0x0], $0xffff  }
0xfe: {  	v29 =	vshll.u32 v25, $0x1;
	v37 =	vshll.u32 v28, $0x1;
	v24 =	vor.u32 v34, v23  }
0xff: {  	v23 =	vshrl.u32 v8, s22;
	v34 =	vand.u32 v33, v24;
	v39 =	vor.u32 v33, v24  }
0x100: {  	v44 =	vand.u32 $0x1, v23;
	v23 =	vor.u32 v26, v13;
	v33 =	vshll.u32 v34, $0x1  }
0x101: {  	v21 =	vshrl.u32 v21, $0x1E;
	v26 =	vshrl.u32 v34, $0x1F;
	v23 =	vor.u32 v44, v23  }
0x102: {  	s21 =	sadd.s32 $0xFFFFFFFF, s18;
	s18 =	smov.u32 s17;
	s17 =	smov.u32 s22;
	v29 =	vor.u32 v21, v29;
	v21 =	vshra.s32 v34, $0x1F;
	v45 =	vand.u32 v14, v23  }
0x103: {  	v34 =	vor.u32 v22, v37;
	v22 =	vshll.u32 v26, s21;
	v45 =	vadd.s32 v14, v45  }
0x104: {  	v32 =	vadd.s32 v32, v21;
	vm0 =	vlt.u32 v45, v14;
	v37 =	vxor.u32 v14, v45  }
0x105: {  	v17 =	vor.u32 v17, v22;
	v26 =	vsel vm0, $0x1, v0;
	v45 =	vor.u32 v23, v37  }
0x106: {  	v33 =	vor.u32 v36, v33;
	v46 =	vand.u32 v14, v45;
	v14 =	vor.u32 v14, v45  }
0x107: {  	v22 =	vxor.u32 $0xFFFFFFFF, v39;
	v14 =	vxor.u32 $0xFFFFFFFF, v14;
	v21 =	vshrl.u32 v46, $0x1  }
0x108: {  	v23 =	vand.u32 v27, v34;
	v37 =	vor.u32 v22, v35;
	v13 =	vor.u32 v14, v13  }
0x109: {  	v35 =	vshll.u32 v37, $0x1;
	v14 =	vshll.u32 v13, $0x1;
	v13 =	vshrl.u32 v13, $0x1  }
.Ltmp10:
0x10a: {  	v36 =	vxor.u32 $0xFFFFFFFF, v43;
	v14 =	vor.u32 v41, v14;
	v22 =	vshrl.u32 v13, $0x1E;
	(pc) =	sbr.rel @p3 .LBB2_18-.Ltmp10, $4  }
0x10b: {  	v35 =	vor.u32 v31, v35;
	v39 =	vor.u32 v45, v14;
	v13 =	vand.u32 v45, v14  }
0x10c: {  	v41 =	vor.u32 v42, v19;
	v14 =	vshll.u32 v46, $0x1;
	v39 =	vxor.u32 $0xFFFFFFFF, v39  }
0x10d: {  	v36 =	vor.u32 v36, v40;
	v31 =	vor.u32 v23, v38;
	v14 =	vor.u32 v39, v14  }
0x10e: {  	s20 =	sadd.s32 $0x10, s20;
	v36 =	vor.u32 v12, v36;
	v12 =	vmovc v30;
	v38 =	vor.u32 v30, v41;
	v14 =	vor.u32 v44, v14  }
0x10f: {  	v8 =	vor.u32 v27, v34;
	v9 =	vand.u32 v36, v38;
	v18 =	vshrl.u32 v37, $0x1F  }
0x110: {  	v25 =	vshrl.u32 v25, $0x1F;
	v28 =	vshrl.u32 v28, $0x1F;
	v51 =	vor.u32 v24, v35  }
0x111: {  	v53 =	vand.u32 v24, v35;
	v54 =	vadd.s32 $0x30, v10;
	v56 =	vadd.s32 $0x20, v10  }
0x112: {  	v21 =	vshrl.u32 v21, $0x1E;
	v8 =	vxor.u32 $0xFFFFFFFF, v8;
	v9 =	vadd.s32 v36, v9  }
0x113: {  	v16 =	vld.idx.msk [tilespmem:v16+s11+$0x0], $0xffff;
	v50 =	vshll.u32 v18, s21;
	v18 =	vadd.s32 v18, v32;
	v27 =	vxor.u32 $0xFFFFFFFF, v51  }
0x114: {  	v11 =	vor.u32 v11, v50;
	vm0 =	vlt.u32 v9, v36;
	v9 =	vxor.u32 v36, v9  }
0x115: {  	v8 =	vor.u32 v8, v29;
	v27 =	vor.u32 v27, v33;
	v9 =	vor.u32 v38, v9  }
0x116: {  	v57 =	vand.u32 v8, v31;
	v61 =	vsel vm0, $0x1, v0;
	v52 =	vor.u32 v36, v9  }
0x117: {  	v30 =	vand.u32 v36, v9;
	v34 =	vadd.s32 v8, v57;
	v29 =	vxor.u32 $0xFFFFFFFF, v52  }
0x118: {  	v55 =	vshrl.u32 v30, $0x1;
	v16 =	vor.u32 v53, v16;
	v26 =	vadd.s32 v26, v34  }
0x119: {  	v58 =	vshll.u32 v30, $0x1;
	v10 =	vld.idx.msk [tilespmem:v56+s11+$0x0], $0xffff;
	v56 =	vor.u32 v4, v20;
	v19 =	vor.u32 v29, v19  }
0x11a: {  	v26 =	vxor.u32 v8, v26;
	v62 =	vand.u32 v27, v16;
	v40 =	vshrl.u32 v55, $0x1E  }
0x11b: {  	v29 =	vshrl.u32 v19, $0x1;
	v19 =	vshll.u32 v19, $0x1;
	v60 =	vor.u32 v31, v26  }
0x11c: {  	v31 =	vadd.s32 v27, v62;
	v15 =	vor.u32 v15, v19;
	v63 =	vand.u32 v8, v60  }
0x11d: {  	v8 =	vor.u32 v8, v60;
	v26 =	vadd.s32 v61, v31;
	v29 =	vshrl.u32 v29, $0x1E  }
0x11e: {  	v61 =	vor.u32 v5, v20;
	v59 =	vor.u32 v9, v15;
	v8 =	vxor.u32 $0xFFFFFFFF, v8  }
0x11f: {  	v9 =	vand.u32 v9, v15;
	v42 =	vshll.u32 v63, $0x1;
	v23 =	vor.u32 v8, v23  }
0x120: {  	v8 =	vxor.u32 v27, v26;
	v21 =	vor.u32 v21, v42;
	v30 =	vxor.u32 $0xFFFFFFFF, v59  }
0x121: {  	v10 =	vor.u32 v10, v9;
	v41 =	vshll.u32 v23, $0x1;
	v16 =	vor.u32 v16, v8  }
0x122: {  	v19 =	vor.u32 v30, v58;
	v10 =	vor.u32 v25, v10;
	v23 =	vshrl.u32 v23, $0x1F  }
0x123: {  	v8 =	vand.u32 v27, v16;
	v27 =	vor.u32 v27, v16;
	v22 =	vor.u32 v22, v41  }
0x124: {  	v12 =	vor.u32 v12, v19;
	v43 =	vshll.u32 v8, $0x1;
	v44 =	vshrl.u32 v8, $0x1F  }
0x125: {  	s16 =	sadd.s32 $0xFFFFFFFF, s18;
	v8 =	vshra.s32 v8, $0x1F;
	v47 =	vxor.u32 $0xFFFFFFFF, v27;
	v27 =	vand.u32 v60, v22  }
0x126: {  	v15 =	vor.u32 v60, v22;
	v49 =	vand.u32 v12, v10;
	v45 =	vshll.u32 v44, s16  }
0x127: {  	v18 =	vadd.s32 v18, v8;
	v46 =	vor.u32 v40, v43;
	v24 =	vor.u32 v47, v53  }
0x128: {  	v15 =	vxor.u32 $0xFFFFFFFF, v15;
	v22 =	vadd.s32 v12, v49;
	v8 =	vor.u32 v17, v45  }
0x129: {  	v26 =	vshll.u32 v24, $0x1;
	v24 =	vshrl.u32 v24, $0x1F;
	vm14 =	vlt.u32 v22, v12  }
0x12a: {  	v51 =	vld.idx.msk [tilespmem:v54+s11+$0x0], $0xffff;
	v22 =	vxor.u32 v12, v22;
	v15 =	vor.u32 v15, v21;
	v48 =	vor.u32 v29, v26  }
0x12b: {  	v50 =	vshll.u32 v24, s16;
	v29 =	vshrl.u32 v63, $0x1F;
	v18 =	vadd.s32 v24, v18  }
0x12c: {  	v10 =	vor.u32 v10, v22;
	v60 =	vsel vm14, $0x1, v0;
	v11 =	vor.u32 v11, v50  }
0x12d: {  	v52 =	vor.u32 v16, v48;
	v54 =	vand.u32 v12, v10;
	v12 =	vor.u32 v12, v10  }
0x12e: {  	v16 =	vand.u32 v16, v48;
	v53 =	vxor.u32 $0xFFFFFFFF, v52;
	v12 =	vxor.u32 $0xFFFFFFFF, v12  }
0x12f: {  	v55 =	vor.u32 v16, v51;
	v57 =	vshrl.u32 v54, $0x1;
	v17 =	vor.u32 v53, v46  }
0x130: {  	v63 =	vld.idx.msk [tilespmem:v56+s11+$0x0], $0xffff;
	v19 =	vshll.u32 v54, $0x1;
	v9 =	vor.u32 v12, v9;
	v58 =	vand.u32 v17, v55  }
0x131: {  	v59 =	vshrl.u32 v9, $0x1;
	v9 =	vshll.u32 v9, $0x1;
	v12 =	vadd.s32 v17, v58  }
0x132: {  	v24 =	vshrl.u32 v57, $0x1E;
	v9 =	vor.u32 v28, v9;
	v12 =	vadd.s32 v60, v12  }
0x133: {  	v33 =	vshrl.u32 v59, $0x1E;
	v28 =	vor.u32 v10, v9;
	v12 =	vxor.u32 v17, v12  }
0x134: {  	v9 =	vand.u32 v10, v9;
	v40 =	vxor.u32 $0xFFFFFFFF, v28;
	v62 =	vor.u32 v55, v12  }
0x135: {  	v19 =	vor.u32 v40, v19;
	v12 =	vor.u32 v63, v9;
	v34 =	vand.u32 v17, v62  }
0x136: {  	v17 =	vor.u32 v17, v62;
	v19 =	vor.u32 v25, v19;
	v12 =	vor.u32 v29, v12  }
0x137: {  	v35 =	vshll.u32 v34, $0x1;
	v17 =	vxor.u32 $0xFFFFFFFF, v17;
	v36 =	vshrl.u32 v34, $0x1F  }
0x138: {  	s30 =	sadd.s32 $0xFFFFFFFF, s17;
	v37 =	vld.idx.msk [tilespmem:v61+s11+$0x0], $0xffff;
	v22 =	vshra.s32 v34, $0x1F;
	v41 =	vand.u32 v19, v12;
	v16 =	vor.u32 v17, v16  }
0x139: {  	v38 =	vor.u32 v24, v35;
	v44 =	vshll.u32 v36, s30;
	v18 =	vadd.s32 v18, v22  }
0x13a: {  	v39 =	vshll.u32 v16, $0x1;
	v16 =	vshrl.u32 v16, $0x1F;
	v8 =	vor.u32 v8, v44  }
0x13b: {  	v21 =	vor.u32 v33, v39;
	v47 =	vshll.u32 v16, s30;
	v59 =	vadd.s32 v16, v18  }
0x13c: {  	v24 =	vor.u32 v62, v21;
	v10 =	vand.u32 v62, v21;
	v21 =	vadd.s32 v19, v41  }
0x13d: {  	v11 =	vor.u32 v11, v47;
	v24 =	vxor.u32 $0xFFFFFFFF, v24;
	v17 =	vor.u32 v10, v37  }
0x13e: {  	vm15 =	vlt.u32 v21, v19;
	v21 =	vxor.u32 v19, v21;
	v20 =	vor.u32 v24, v38  }
0x13f: {  	v42 =	vsel vm15, $0x1, v0;
	v12 =	vor.u32 v12, v21;
	v24 =	vand.u32 v20, v17  }
0x140: {  	v45 =	vor.u32 v19, v12;
	v19 =	vand.u32 v19, v12;
	v43 =	vadd.s32 v20, v24  }
0x141: {  	v46 =	vxor.u32 $0xFFFFFFFF, v45;
	v51 =	vshll.u32 v19, $0x1;
	v55 =	vshrl.u32 v19, $0x1  }
0x142: {  	[tilespmem:$0x18200] =	vst v14;
	v21 =	vadd.s32 v42, v43;
	v9 =	vor.u32 v46, v9;
	v14 =	vshrl.u32 v55, $0x1E  }
0x143: {  	v21 =	vxor.u32 v20, v21;
	v49 =	vshll.u32 v9, $0x1;
	v9 =	vshrl.u32 v9, $0x1  }
0x144: {  	v17 =	vor.u32 v17, v21;
	v23 =	vor.u32 v23, v49;
	v9 =	vshrl.u32 v9, $0x1E  }
0x145: {  	[tilespmem:$0x18240] =	vst v13;
	v48 =	vor.u32 v20, v17;
	v20 =	vand.u32 v20, v17;
	v50 =	vor.u32 v12, v23  }
0x146: {  	[tilespmem:$0x18210] =	vst v15;
	v12 =	vand.u32 v12, v23;
	v22 =	vxor.u32 $0xFFFFFFFF, v48;
	v60 =	vshra.s32 v20, $0x1F  }
0x147: {  	[tilespmem:$0x18250] =	vst v27;
	v63 =	vand.u32 $0x80000000, v20;
	v10 =	vor.u32 v22, v10;
	v22 =	vxor.u32 $0xFFFFFFFF, v50  }
0x148: {  	[tilespmem:$0x18260] =	vst v12;
	v13 =	vadd.s32 v59, v60;
	v8 =	vor.u32 v8, v63;
	v52 =	vor.u32 v22, v51  }
0x149: {  	v53 =	vshll.u32 v10, $0x1;
	v61 =	vshrl.u32 v10, $0x1F;
	[tilespmem:$0x18390] =	vst v8;
	v54 =	vor.u32 v29, v52  }
0x14a: {  	s31 =	sshll.u32 s15, $0x4;
	v10 =	vand.u32 $0x80000000, v10;
	v9 =	vor.u32 v9, v53;
	v12 =	vadd.s32 v61, v13;
	[tilespmem:$0x18220] =	vst v54  }
0x14b: {  	s16 =	sand.u32 $0x10, s31;
	v56 =	vshll.u32 v20, $0x1;
	v62 =	vor.u32 v11, v10;
	v57 =	vor.u32 v17, v9;
	[tilespmem:$0x18280] =	vst v12  }
0x14c: {  	s16 =	sor.u32 s4, s16;
	v14 =	vor.u32 v14, v56;
	v9 =	vand.u32 v17, v9;
	[tilespmem:$0x18380] =	vst v62;
	v58 =	vxor.u32 $0xFFFFFFFF, v57  }
0x14d: {  	s16 =	sshll.u32 s16, $0x5;
	[tilespmem:$0x18270] =	vst v9;
	v14 =	vor.u32 v58, v14  }
0x14e: {  	s16 =	sadd.s32 s16, s2;
	[tilespmem:$0x18230] =	vst v14  }
0x14f: {  	[spmem:s16] =	stream.linear.scatter [tilespmem:s13], [sflag:$0x1], $0x20, $0x38;
	[tilespmem:$0x184C0] =	vst v63  }
0x150: {  	_ =	swait.ge [sflag:s9], $0x20  }
0x151: {  	[sflag:s9] =	ssyncset.done $0x0  }
0x152: {  	[sflag:s9] =	ssyncadd.s32 $0xFFFFFFE0  }
.LBB2_20:
0x153: {  	s15 =	sadd.s32 $0x1, s15  }
0x154: {  	p3 =	sne.s32 s15, $0x4F  }
.Ltmp11:
0x155: {  	_ = 	snop;
	(pc) =	sbr.rel @p3 .LBB2_12-.Ltmp11, $4  }
.Ltmp12:
0x156: {  	_ = 	snop;
	(pc) =	sbr.rel @!p3 .LBB2_21-.Ltmp12, $4  }
0x157: {  	_ = 	snop  }
0x158: {  	[bflag:$0x0] =	sbarrier.arrive $0xFFFF  }
0x159: {  	_ = 	snop  }
0x15a: {  	_ = 	snop  }
.LBB2_16:
0x15b: {  	p3 =	sgt.u32 s16, $0x3F  }
.Ltmp13:
0x15c: {  	_ = 	snop;
	(pc) =	sbr.rel @p3 .LBB2_20-.Ltmp13, $4  }
.Ltmp14:
0x15d: {  	_ = 	snop;
	(pc) =	sbr.rel @!p3 .LBB2_17-.Ltmp14, $4  }
0x15e: {  	_ = 	snop  }
0x15f: {  	_ = 	snop  }
0x160: {  	_ = 	snop  }
0x161: {  	_ = 	snop  }
.LBB2_22:
0x162: {  	_ =	sfence.sel $0x180000  }
0x163: {  	[bflag:$0x0] =	sbarrier.arrive $0xFFFF  }
0x164: {  	_ =	strace $0x90000047  }
0x165: {  	s0 =	sadd.s32 @!p1 $0x100000, s0;
	[bflag:$0x2] =	sbarrier.arrive $0xFFFF  }
0x166: {  	[sflag:s0] =	ssyncadd.tile.s32 @!p1 $0x1;
	_ =	shalt  }
.Lfunc_end2:
_tile_overlayer_lowered:
.L_overlay_start_2:
0x167: {  	(tag) =	ssettag $0x2  }
0x168: {  	s0 =	rddreg [dreg:$0x0];
	s2 =	stileid.u32  }
0x169: {  	s1 =	rddreg [dreg:$0x1];
	p0 =	sne.s32 s2, $0x0  }
0x16a: {  	s3 =	rddreg [dreg:$0x2];
	[bflag:$0x3] =	sbarrier.arrive $0xFFFF;
	s2 =	simm.s32 @!p0 $0x1C01  }
0x16b: {  	[timem:s3], [sflag:s2] =	dma.local @!p0 [hbm:s0], s1  }
0x16c: {  	s0 =	simm.s32 @!p0 $0x1  }
0x16d: {  	_ =	swait.ge @!p0 [sflag:s0], s1  }
0x16e: {  	s1 =	ssub.s32 @!p0 $0x0, s1;
	[sflag:s0] =	ssyncset.done @!p0 $0x0  }
0x16f: {  	[sflag:s0] =	ssyncadd.s32 @!p0 s1  }
0x170: {  	[bflag:$0x3] =	sbarrier.arrive $0xFFFF  }
0x171: {  	_ =	shalt  }

</sc_bundles>
